<compile_context>
chip_gen: v7x
topology: tpu7x:2x2x1
jax: 0.10.2.dev20260603
libtpu: 0.0.44.dev20260713+nightly
codegen_flags: <defaults>
</compile_context>

<pallas_src>
import functools

import jax
import jax.numpy as jnp
from jax import lax
from jax.experimental import pallas as pl
from jax.experimental.pallas import tpu as pltpu
from jax.experimental.pallas import tpu_sc as plsc

N = 10000
E = 320000
D = 128

NC = 2
NS = 16
NW = NC * NS
CH = 80
EW = E // NW
NCHUNK = EW // CH
W0 = 624
WROWS = 640
DW = 8
BN = 1000


def _make_sc_agg(with_deg):
  mesh = plsc.VectorSubcoreMesh(core_axis_name="c", subcore_axis_name="s")
  out_type = [jax.ShapeDtypeStruct((NC, N, D), jnp.float32)]
  scratch = [
      pltpu.VMEM((EW,), jnp.int32),
      pltpu.VMEM((NCHUNK, CH), jnp.int32),
      pltpu.VMEM((CH, D), jnp.float32),
      pltpu.VMEM((CH, D), jnp.float32),
      pltpu.VMEM_SHARED((N, D), jnp.float32),
      pltpu.SemaphoreType.DMA,
      pltpu.SemaphoreType.DMA,
  ]
  if with_deg:
    out_type.append(jax.ShapeDtypeStruct((NC, N, DW), jnp.float32))
    scratch += [
        pltpu.VMEM((CH, DW), jnp.float32),
        pltpu.VMEM_SHARED((N, DW), jnp.float32),
    ]

  def body(*refs):
    if with_deg:
      (xw, src, dst, zrow, zdeg, ones_h,
       agg_out, deg_out,
       sidx, didx, rowsA, rowsB, agg_sh, semA, semB,
       ones_v, deg_sh) = refs
    else:
      (xw, src, dst, zrow,
       agg_out,
       sidx, didx, rowsA, rowsB, agg_sh, semA, semB) = refs
    c = lax.axis_index("c")
    s = lax.axis_index("s")
    wid = s * NC + c
    row0 = s * W0

    pltpu.sync_copy(zrow, agg_sh.at[pl.ds(row0, WROWS)])
    if with_deg:
      pltpu.sync_copy(ones_h, ones_v)
      pltpu.sync_copy(zdeg, deg_sh.at[pl.ds(row0, WROWS)])
    pltpu.sync_copy(src.at[wid], sidx)
    pltpu.sync_copy(dst.at[wid], didx)
    plsc.subcore_barrier()

    def gather_start(j, rows, sem):
      pltpu.async_copy(xw.at[sidx.at[pl.ds(j * CH, CH)]], rows, sem)

    def gather_wait(rows, sem):
      pltpu.make_async_copy(xw.at[pl.ds(0, CH)], rows, sem).wait()

    def scatter(j, rows):
      pltpu.sync_copy(rows, agg_sh.at[didx.at[j]], add=True)
      if with_deg:
        pltpu.sync_copy(ones_v, deg_sh.at[didx.at[j]], add=True)

    gather_start(0, rowsA, semA)

    def pipe(jj, carry):
      j0 = 2 * jj
      gather_start(j0 + 1, rowsB, semB)
      gather_wait(rowsA, semA)
      scatter(j0, rowsA)
      gather_start(j0 + 2, rowsA, semA)
      gather_wait(rowsB, semB)
      scatter(j0 + 1, rowsB)
      return carry

    lax.fori_loop(0, (NCHUNK - 1) // 2, pipe, 0)
    gather_wait(rowsA, semA)
    scatter(NCHUNK - 1, rowsA)
    plsc.subcore_barrier()

    pltpu.sync_copy(agg_sh.at[pl.ds(row0, WROWS)],
                    agg_out.at[c, pl.ds(row0, WROWS)])
    if with_deg:
      pltpu.sync_copy(deg_sh.at[pl.ds(row0, WROWS)],
                      deg_out.at[c, pl.ds(row0, WROWS)])

  return pl.kernel(
      body, out_type=out_type, mesh=mesh, scratch_types=scratch,
      compiler_params=pltpu.CompilerParams(use_tc_tiling_on_sc=False))


_sc_agg_deg = _make_sc_agg(True)
_sc_agg = _make_sc_agg(False)


def _tc_pre_body(x_ref, w1n_ref, w1s_ref, b1_ref, xw_ref, xs_ref):
  x = x_ref[...]
  xw_ref[...] = jnp.dot(x, w1n_ref[...], preferred_element_type=jnp.float32)
  xs_ref[...] = (jnp.dot(x, w1s_ref[...], preferred_element_type=jnp.float32)
                 + b1_ref[...])


def _tc_mid_body(xs_ref, agg_ref, deg_ref, w2n_ref, w2s_ref, b2_ref,
                 xw2_ref, h1s_ref):
  agg = agg_ref[0] + agg_ref[1]
  deg = deg_ref[0] + deg_ref[1]
  dinv = 1.0 / jnp.maximum(deg[:, 0:1], 1.0)
  h1 = jnp.maximum(xs_ref[...] + agg * dinv, 0.0)
  xw2_ref[...] = jnp.dot(h1, w2n_ref[...], preferred_element_type=jnp.float32)
  h1s_ref[...] = (jnp.dot(h1, w2s_ref[...], preferred_element_type=jnp.float32)
                  + b2_ref[...])


def _tc_fin_body(h1s_ref, agg_ref, deg_ref, out_ref):
  agg = agg_ref[0] + agg_ref[1]
  deg = deg_ref[0] + deg_ref[1]
  dinv = 1.0 / jnp.maximum(deg[:, 0:1], 1.0)
  out_ref[...] = h1s_ref[...] + agg * dinv


_row_spec = pl.BlockSpec((BN, D), lambda i: (i, 0))
_w_spec = pl.BlockSpec((D, D), lambda i: (0, 0))
_b_spec = pl.BlockSpec((1, D), lambda i: (0, 0))
_agg_spec = pl.BlockSpec((NC, BN, D), lambda i: (0, i, 0))
_deg_spec = pl.BlockSpec((NC, BN, DW), lambda i: (0, i, 0))

_tc_pre = pl.pallas_call(
    _tc_pre_body,
    grid=(N // BN,),
    in_specs=[_row_spec, _w_spec, _w_spec, _b_spec],
    out_specs=[_row_spec, _row_spec],
    out_shape=[jax.ShapeDtypeStruct((N, D), jnp.float32)] * 2,
)

_tc_mid = pl.pallas_call(
    _tc_mid_body,
    grid=(N // BN,),
    in_specs=[_row_spec, _agg_spec, _deg_spec, _w_spec, _w_spec, _b_spec],
    out_specs=[_row_spec, _row_spec],
    out_shape=[jax.ShapeDtypeStruct((N, D), jnp.float32)] * 2,
)

_tc_fin = pl.pallas_call(
    _tc_fin_body,
    grid=(N // BN,),
    in_specs=[_row_spec, _agg_spec, _deg_spec],
    out_specs=_row_spec,
    out_shape=jax.ShapeDtypeStruct((N, D), jnp.float32),
)


@jax.jit
def _run(x, edge_index, W1_self, W1_neigh, b1, W2_self, W2_neigh, b2):
  src = edge_index[0].reshape(NW, EW)
  dst = edge_index[1].reshape(NW, NCHUNK, CH)
  zrow = jnp.zeros((WROWS, D), jnp.float32)
  zdeg = jnp.zeros((WROWS, DW), jnp.float32)
  ones_c = jnp.ones((CH, DW), jnp.float32)

  xw1, xs1 = _tc_pre(x, W1_neigh.T, W1_self.T, b1[None, :])
  aggp1, degp = _sc_agg_deg(xw1, src, dst, zrow, zdeg, ones_c)
  xw2, h1s = _tc_mid(xs1, aggp1, degp, W2_neigh.T, W2_self.T, b2[None, :])
  (aggp2,) = _sc_agg(xw2, src, dst, zrow)
  return _tc_fin(h1s, aggp2, degp)


def kernel(x, edge_index, W1_self, W1_neigh, b1, W2_self, W2_neigh, b2):
  return _run(x, edge_index, W1_self, W1_neigh, b1, W2_self, W2_neigh, b2)

# --- scband reference (transcript-rebuilt; emitter-appended) ---
"""Pipeline reference for scband-sage-48808008352171 (READ-ONLY COPY).

The authoritative reference and input builder live on the scoring server;
editing this copy changes nothing except your own understanding.
"""

import jax, jax.numpy as jnp
import numpy as np

N = 10000
E = 320000
D_IN = 128
D_HID = 128
D_OUT = 128


def setup_inputs(seed: int = 0) -> dict:
    key = jax.random.key(seed)
    ks = jax.random.split(key, 8)
    x = jax.random.normal(ks[0], (N, D_IN), dtype=jnp.float32)
    edge_index = jax.random.randint(ks[1], (2, E), 0, N, dtype=jnp.int32)
    s1 = 1.0 / np.sqrt(D_IN)
    s2 = 1.0 / np.sqrt(D_HID)
    W1_self = jax.random.normal(ks[2], (D_HID, D_IN), dtype=jnp.float32) * s1
    W1_neigh = jax.random.normal(ks[3], (D_HID, D_IN), dtype=jnp.float32) * s1
    b1 = jnp.zeros((D_HID,), dtype=jnp.float32)
    W2_self = jax.random.normal(ks[4], (D_OUT, D_HID), dtype=jnp.float32) * s2
    W2_neigh = jax.random.normal(ks[5], (D_OUT, D_HID), dtype=jnp.float32) * s2
    b2 = jnp.zeros((D_OUT,), dtype=jnp.float32)
    return {"x": x, "edge_index": edge_index, "W1_self": W1_self, "W1_neigh": W1_neigh, "b1": b1, "W2_self": W2_self, "W2_neigh": W2_neigh, "b2": b2}


def _sage_conv(h, src, dst, W_self, W_neigh, b):
    # DGL SAGEConv, aggregator_type='mean':
    # rst = fc_self(h_dst) + fc_neigh(mean_{u in N(v)} h_u) + bias
    msgs = jnp.take(h, src, axis=0)                          # gather  [E, d]
    agg = jax.ops.segment_sum(msgs, dst, num_segments=N)     # scatter-add [N, d]
    deg = jax.ops.segment_sum(jnp.ones((src.shape[0],), h.dtype), dst, num_segments=N)
    mean = agg / jnp.clip(deg, 1.0, None)[:, None]           # zero-in-degree -> 0 vector
    return h @ W_self.T + mean @ W_neigh.T + b


def reference(x, edge_index, W1_self, W1_neigh, b1, W2_self, W2_neigh, b2):
    src = edge_index[0]
    dst = edge_index[1]
    h = _sage_conv(x, src, dst, W1_self, W1_neigh, b1)
    h = jax.nn.relu(h)
    out = _sage_conv(h, src, dst, W2_self, W2_neigh, b2)
    return out

if __name__ == "__main__":
    import jax
    _d = setup_inputs()
    print(jax.jit(kernel)(*tuple(_d.values())))

</pallas_src>

<mosaic_0001>
#map = affine_map<(d0, d1) -> (0, 0)>
#map1 = affine_map<(d0, d1) -> (0, 0, 0)>
module attributes {stable_mosaic.version = 14 : i64} {
  func.func @body(%arg0: i32, %arg1: i32, %arg2: memref<10000x128xf32, #tpu.memory_space<hbm>>, %arg3: memref<32x10000xi32, #tpu.memory_space<hbm>>, %arg4: memref<32x125x80xi32, #tpu.memory_space<hbm>>, %arg5: memref<640x128xf32, #tpu.memory_space<hbm>>, %arg6: memref<640x8xf32, #tpu.memory_space<hbm>>, %arg7: memref<80x8xf32, #tpu.memory_space<hbm>>, %arg8: memref<2x10000x128xf32, #tpu.memory_space<hbm>>, %arg9: memref<2x10000x8xf32, #tpu.memory_space<hbm>>, %arg10: memref<10000xi32, #tpu.memory_space<vmem>>, %arg11: memref<125x80xi32, #tpu.memory_space<vmem>>, %arg12: memref<80x128xf32, #tpu.memory_space<vmem>>, %arg13: memref<80x128xf32, #tpu.memory_space<vmem>>, %arg14: memref<10000x128xf32, #tpu.memory_space<vmem_shared>>, %arg15: memref<!tpu.dma_semaphore, #tpu.memory_space<semaphore_mem>>, %arg16: memref<!tpu.dma_semaphore, #tpu.memory_space<semaphore_mem>>, %arg17: memref<80x8xf32, #tpu.memory_space<vmem>>, %arg18: memref<10000x8xf32, #tpu.memory_space<vmem_shared>>) attributes {dimension_semantics = [#tpu.dimension_semantics<core_parallel>, #tpu.dimension_semantics<subcore_parallel>], iteration_bounds = array<i64: 2, 16>, scalar_prefetch = 0 : i64, scratch_operands = 9 : i64, tpu.core_type = #tpu.core_type<sc_vector_subcore>, window_params = [{transform_indices = #map}, {transform_indices = #map}, {transform_indices = #map1}, {transform_indices = #map}, {transform_indices = #map}, {transform_indices = #map}, {transform_indices = #map1}, {transform_indices = #map1}]} {
    %mul3A = arith.constant 2 : i32
    %mul3A_0 = arith.muli %arg1, %mul3A : i32
    %add3A = arith.addi %mul3A_0, %arg0 : i32
    %mul3A_1 = arith.constant 624 : i32
    %mul3A_2 = arith.muli %arg1, %mul3A_1 : i32
    "tpu.region"() ({
      %run_scoped3A_19 = tpu.sem_alloc : memref<!tpu.dma_semaphore, #tpu.memory_space<semaphore_mem>>
      %dma_start3A_20 = arith.constant 0 : i32
      %dma_start3A_21 = tpu.memref_slice %arg14[%mul3A_2, %dma_start3A_20] : memref<10000x128xf32, #tpu.memory_space<vmem_shared>> -> memref<640x128xf32, #tpu.memory_space<vmem_shared>>
      tpu.enqueue_dma source(%arg5 : memref<640x128xf32, #tpu.memory_space<hbm>>) target(%dma_start3A_21 : memref<640x128xf32, #tpu.memory_space<vmem_shared>>) target_semaphore(%run_scoped3A_19 : memref<!tpu.dma_semaphore, #tpu.memory_space<semaphore_mem>>)
      %dma_wait3A_22 = arith.constant 0 : i32
      %dma_wait3A_23 = tpu.memref_slice %arg14[%mul3A_2, %dma_wait3A_22] : memref<10000x128xf32, #tpu.memory_space<vmem_shared>> -> memref<640x128xf32, #tpu.memory_space<vmem_shared>>
      tpu.wait_dma2 semaphore(%run_scoped3A_19 : memref<!tpu.dma_semaphore, #tpu.memory_space<semaphore_mem>>) src(%arg5 : memref<640x128xf32, #tpu.memory_space<hbm>>) dst(%dma_wait3A_23 : memref<640x128xf32, #tpu.memory_space<vmem_shared>>)
      tpu.yield
    }) : () -> ()
    "tpu.region"() ({
      %run_scoped3A_19 = tpu.sem_alloc : memref<!tpu.dma_semaphore, #tpu.memory_space<semaphore_mem>>
      tpu.enqueue_dma source(%arg7 : memref<80x8xf32, #tpu.memory_space<hbm>>) target(%arg17 : memref<80x8xf32, #tpu.memory_space<vmem>>) target_semaphore(%run_scoped3A_19 : memref<!tpu.dma_semaphore, #tpu.memory_space<semaphore_mem>>)
      tpu.wait_dma2 semaphore(%run_scoped3A_19 : memref<!tpu.dma_semaphore, #tpu.memory_space<semaphore_mem>>) src(%arg7 : memref<80x8xf32, #tpu.memory_space<hbm>>) dst(%arg17 : memref<80x8xf32, #tpu.memory_space<vmem>>)
      tpu.yield
    }) : () -> ()
    "tpu.region"() ({
      %run_scoped3A_19 = tpu.sem_alloc : memref<!tpu.dma_semaphore, #tpu.memory_space<semaphore_mem>>
      %dma_start3A_20 = arith.constant 0 : i32
      %dma_start3A_21 = tpu.memref_slice %arg18[%mul3A_2, %dma_start3A_20] : memref<10000x8xf32, #tpu.memory_space<vmem_shared>> -> memref<640x8xf32, #tpu.memory_space<vmem_shared>>
      tpu.enqueue_dma source(%arg6 : memref<640x8xf32, #tpu.memory_space<hbm>>) target(%dma_start3A_21 : memref<640x8xf32, #tpu.memory_space<vmem_shared>>) target_semaphore(%run_scoped3A_19 : memref<!tpu.dma_semaphore, #tpu.memory_space<semaphore_mem>>)
      %dma_wait3A_22 = arith.constant 0 : i32
      %dma_wait3A_23 = tpu.memref_slice %arg18[%mul3A_2, %dma_wait3A_22] : memref<10000x8xf32, #tpu.memory_space<vmem_shared>> -> memref<640x8xf32, #tpu.memory_space<vmem_shared>>
      tpu.wait_dma2 semaphore(%run_scoped3A_19 : memref<!tpu.dma_semaphore, #tpu.memory_space<semaphore_mem>>) src(%arg6 : memref<640x8xf32, #tpu.memory_space<hbm>>) dst(%dma_wait3A_23 : memref<640x8xf32, #tpu.memory_space<vmem_shared>>)
      tpu.yield
    }) : () -> ()
    "tpu.region"() ({
      %run_scoped3A_19 = tpu.sem_alloc : memref<!tpu.dma_semaphore, #tpu.memory_space<semaphore_mem>>
      %dma_start3A_20 = arith.constant 0 : i32
      %dma_start3A_21 = tpu.memref_slice %arg3[%add3A, %dma_start3A_20] : memref<32x10000xi32, #tpu.memory_space<hbm>> -> memref<1x10000xi32, #tpu.memory_space<hbm>>
      %dma_start3A_22 = tpu.memref_squeeze %dma_start3A_21 : memref<1x10000xi32, #tpu.memory_space<hbm>> -> memref<10000xi32, #tpu.memory_space<hbm>>
      %dma_start3A_23 = arith.constant 0 : i32
      %dma_start3A_24 = tpu.memref_slice %arg3[%add3A, %dma_start3A_23] : memref<32x10000xi32, #tpu.memory_space<hbm>> -> memref<1x10000xi32, #tpu.memory_space<hbm>>
      %dma_start3A_25 = tpu.memref_squeeze %dma_start3A_24 : memref<1x10000xi32, #tpu.memory_space<hbm>> -> memref<10000xi32, #tpu.memory_space<hbm>>
      tpu.enqueue_dma source(%dma_start3A_25 : memref<10000xi32, #tpu.memory_space<hbm>>) target(%arg10 : memref<10000xi32, #tpu.memory_space<vmem>>) target_semaphore(%run_scoped3A_19 : memref<!tpu.dma_semaphore, #tpu.memory_space<semaphore_mem>>)
      %dma_wait3A_26 = arith.constant 0 : i32
      %dma_wait3A_27 = tpu.memref_slice %arg3[%add3A, %dma_wait3A_26] : memref<32x10000xi32, #tpu.memory_space<hbm>> -> memref<1x10000xi32, #tpu.memory_space<hbm>>
      %dma_wait3A_28 = tpu.memref_squeeze %dma_wait3A_27 : memref<1x10000xi32, #tpu.memory_space<hbm>> -> memref<10000xi32, #tpu.memory_space<hbm>>
      %dma_wait3A_29 = arith.constant 0 : i32
      %dma_wait3A_30 = tpu.memref_slice %arg3[%add3A, %dma_wait3A_29] : memref<32x10000xi32, #tpu.memory_space<hbm>> -> memref<1x10000xi32, #tpu.memory_space<hbm>>
      %dma_wait3A_31 = tpu.memref_squeeze %dma_wait3A_30 : memref<1x10000xi32, #tpu.memory_space<hbm>> -> memref<10000xi32, #tpu.memory_space<hbm>>
      tpu.wait_dma2 semaphore(%run_scoped3A_19 : memref<!tpu.dma_semaphore, #tpu.memory_space<semaphore_mem>>) src(%dma_wait3A_31 : memref<10000xi32, #tpu.memory_space<hbm>>) dst(%arg10 : memref<10000xi32, #tpu.memory_space<vmem>>)
      tpu.yield
    }) : () -> ()
    "tpu.region"() ({
      %run_scoped3A_19 = tpu.sem_alloc : memref<!tpu.dma_semaphore, #tpu.memory_space<semaphore_mem>>
      %dma_start3A_20 = arith.constant 0 : i32
      %dma_start3A_21 = arith.constant 0 : i32
      %dma_start3A_22 = tpu.memref_slice %arg4[%add3A, %dma_start3A_20, %dma_start3A_21] : memref<32x125x80xi32, #tpu.memory_space<hbm>> -> memref<1x125x80xi32, #tpu.memory_space<hbm>>
      %dma_start3A_23 = tpu.memref_squeeze %dma_start3A_22 : memref<1x125x80xi32, #tpu.memory_space<hbm>> -> memref<125x80xi32, #tpu.memory_space<hbm>>
      %dma_start3A_24 = arith.constant 0 : i32
      %dma_start3A_25 = arith.constant 0 : i32
      %dma_start3A_26 = tpu.memref_slice %arg4[%add3A, %dma_start3A_24, %dma_start3A_25] : memref<32x125x80xi32, #tpu.memory_space<hbm>> -> memref<1x125x80xi32, #tpu.memory_space<hbm>>
      %dma_start3A_27 = tpu.memref_squeeze %dma_start3A_26 : memref<1x125x80xi32, #tpu.memory_space<hbm>> -> memref<125x80xi32, #tpu.memory_space<hbm>>
      tpu.enqueue_dma source(%dma_start3A_27 : memref<125x80xi32, #tpu.memory_space<hbm>>) target(%arg11 : memref<125x80xi32, #tpu.memory_space<vmem>>) target_semaphore(%run_scoped3A_19 : memref<!tpu.dma_semaphore, #tpu.memory_space<semaphore_mem>>)
      %dma_wait3A_28 = arith.constant 0 : i32
      %dma_wait3A_29 = arith.constant 0 : i32
      %dma_wait3A_30 = tpu.memref_slice %arg4[%add3A, %dma_wait3A_28, %dma_wait3A_29] : memref<32x125x80xi32, #tpu.memory_space<hbm>> -> memref<1x125x80xi32, #tpu.memory_space<hbm>>
      %dma_wait3A_31 = tpu.memref_squeeze %dma_wait3A_30 : memref<1x125x80xi32, #tpu.memory_space<hbm>> -> memref<125x80xi32, #tpu.memory_space<hbm>>
      %dma_wait3A_32 = arith.constant 0 : i32
      %dma_wait3A_33 = arith.constant 0 : i32
      %dma_wait3A_34 = tpu.memref_slice %arg4[%add3A, %dma_wait3A_32, %dma_wait3A_33] : memref<32x125x80xi32, #tpu.memory_space<hbm>> -> memref<1x125x80xi32, #tpu.memory_space<hbm>>
      %dma_wait3A_35 = tpu.memref_squeeze %dma_wait3A_34 : memref<1x125x80xi32, #tpu.memory_space<hbm>> -> memref<125x80xi32, #tpu.memory_space<hbm>>
      tpu.wait_dma2 semaphore(%run_scoped3A_19 : memref<!tpu.dma_semaphore, #tpu.memory_space<semaphore_mem>>) src(%dma_wait3A_35 : memref<125x80xi32, #tpu.memory_space<hbm>>) dst(%arg11 : memref<125x80xi32, #tpu.memory_space<vmem>>)
      tpu.yield
    }) : () -> ()
    %barrier3A = arith.constant 0 : index
    tpu.barrier barrier_id(%barrier3A)
    %dma_start3A = arith.constant 0 : i32
    %dma_start3A_3 = tpu.memref_slice %arg10[%dma_start3A] : memref<10000xi32, #tpu.memory_space<vmem>> -> memref<80xi32, #tpu.memory_space<vmem>>
    %dma_start3A_4 = arith.constant 0 : i32
    %dma_start3A_5 = arith.constant 0 : i32
    %dma_start3A_6 = tpu.memref_slice %arg2[%dma_start3A_4, %dma_start3A_5] : memref<10000x128xf32, #tpu.memory_space<hbm>> -> memref<10000x128xf32, #tpu.memory_space<hbm>>
    tpu.enqueue_indirect_dma source(%dma_start3A_6 : memref<10000x128xf32, #tpu.memory_space<hbm>>) target(%arg12 : memref<80x128xf32, #tpu.memory_space<vmem>>) offsets(%dma_start3A_3 : memref<80xi32, #tpu.memory_space<vmem>>) semaphore(%arg15 : memref<!tpu.dma_semaphore, #tpu.memory_space<semaphore_mem>>)
    %scan3A = arith.constant 0 : i32
    %scan3A_7 = arith.constant 0 : i32
    %scan3A_8 = arith.constant 62 : i32
    %scan3A_9 = arith.addi %scan3A_7, %scan3A_8 : i32
    %scan3A_10 = arith.constant 1 : i32
    scf.for %scan3A_19 = %scan3A_7 to %scan3A_9 step %scan3A_10  : i32 {
      %mul3A_20 = arith.constant 2 : i32
      %mul3A_21 = arith.muli %mul3A_20, %scan3A_19 : i32
      %add3A_22 = arith.constant 1 : i32
      %add3A_23 = arith.addi %mul3A_21, %add3A_22 : i32
      %mul3A_24 = arith.constant 80 : i32
      %mul3A_25 = arith.muli %add3A_23, %mul3A_24 : i32
      %dma_start3A_26 = tpu.memref_slice %arg10[%mul3A_25] : memref<10000xi32, #tpu.memory_space<vmem>> -> memref<80xi32, #tpu.memory_space<vmem>>
      %dma_start3A_27 = arith.constant 0 : i32
      %dma_start3A_28 = arith.constant 0 : i32
      %dma_start3A_29 = tpu.memref_slice %arg2[%dma_start3A_27, %dma_start3A_28] : memref<10000x128xf32, #tpu.memory_space<hbm>> -> memref<10000x128xf32, #tpu.memory_space<hbm>>
      tpu.enqueue_indirect_dma source(%dma_start3A_29 : memref<10000x128xf32, #tpu.memory_space<hbm>>) target(%arg13 : memref<80x128xf32, #tpu.memory_space<vmem>>) offsets(%dma_start3A_26 : memref<80xi32, #tpu.memory_space<vmem>>) semaphore(%arg16 : memref<!tpu.dma_semaphore, #tpu.memory_space<semaphore_mem>>)
      %dma_wait3A_30 = arith.constant 0 : i32
      %dma_wait3A_31 = arith.constant 0 : i32
      %dma_wait3A_32 = tpu.memref_slice %arg2[%dma_wait3A_30, %dma_wait3A_31] : memref<10000x128xf32, #tpu.memory_space<hbm>> -> memref<80x128xf32, #tpu.memory_space<hbm>>
      %dma_wait3A_33 = arith.constant 0 : i32
      %dma_wait3A_34 = arith.constant 0 : i32
      %dma_wait3A_35 = tpu.memref_slice %arg2[%dma_wait3A_33, %dma_wait3A_34] : memref<10000x128xf32, #tpu.memory_space<hbm>> -> memref<80x128xf32, #tpu.memory_space<hbm>>
      tpu.wait_dma2 semaphore(%arg15 : memref<!tpu.dma_semaphore, #tpu.memory_space<semaphore_mem>>) src(%dma_wait3A_35 : memref<80x128xf32, #tpu.memory_space<hbm>>) dst(%arg12 : memref<80x128xf32, #tpu.memory_space<vmem>>)
      "tpu.region"() ({
        %run_scoped3A_52 = tpu.sem_alloc : memref<!tpu.dma_semaphore, #tpu.memory_space<semaphore_mem>>
        %dma_start3A_53 = arith.constant 0 : i32
        %dma_start3A_54 = tpu.memref_slice %arg11[%mul3A_21, %dma_start3A_53] : memref<125x80xi32, #tpu.memory_space<vmem>> -> memref<1x80xi32, #tpu.memory_space<vmem>>
        %dma_start3A_55 = tpu.memref_squeeze %dma_start3A_54 : memref<1x80xi32, #tpu.memory_space<vmem>> -> memref<80xi32, #tpu.memory_space<vmem>>
        %dma_start3A_56 = arith.constant 0 : i32
        %dma_start3A_57 = arith.constant 0 : i32
        %dma_start3A_58 = tpu.memref_slice %arg14[%dma_start3A_56, %dma_start3A_57] : memref<10000x128xf32, #tpu.memory_space<vmem_shared>> -> memref<10000x128xf32, #tpu.memory_space<vmem_shared>>
        tpu.enqueue_indirect_dma source(%arg12 : memref<80x128xf32, #tpu.memory_space<vmem>>) target(%dma_start3A_58 : memref<10000x128xf32, #tpu.memory_space<vmem_shared>>) offsets(%dma_start3A_55 : memref<80xi32, #tpu.memory_space<vmem>>) semaphore(%run_scoped3A_52 : memref<!tpu.dma_semaphore, #tpu.memory_space<semaphore_mem>>) {add = true}
        %dma_wait3A_59 = arith.constant 0 : i32
        %dma_wait3A_60 = tpu.memref_slice %arg11[%mul3A_21, %dma_wait3A_59] : memref<125x80xi32, #tpu.memory_space<vmem>> -> memref<1x80xi32, #tpu.memory_space<vmem>>
        %dma_wait3A_61 = tpu.memref_squeeze %dma_wait3A_60 : memref<1x80xi32, #tpu.memory_space<vmem>> -> memref<80xi32, #tpu.memory_space<vmem>>
        %dma_wait3A_62 = arith.constant 0 : i32
        %dma_wait3A_63 = arith.constant 0 : i32
        %dma_wait3A_64 = tpu.memref_slice %arg14[%dma_wait3A_62, %dma_wait3A_63] : memref<10000x128xf32, #tpu.memory_space<vmem_shared>> -> memref<10000x128xf32, #tpu.memory_space<vmem_shared>>
        tpu.wait_indirect_dma semaphore(%run_scoped3A_52 : memref<!tpu.dma_semaphore, #tpu.memory_space<semaphore_mem>>) src(%arg12 : memref<80x128xf32, #tpu.memory_space<vmem>>) dst(%dma_wait3A_64 : memref<10000x128xf32, #tpu.memory_space<vmem_shared>>)
        tpu.yield
      }) : () -> ()
      "tpu.region"() ({
        %run_scoped3A_52 = tpu.sem_alloc : memref<!tpu.dma_semaphore, #tpu.memory_space<semaphore_mem>>
        %dma_start3A_53 = arith.constant 0 : i32
        %dma_start3A_54 = tpu.memref_slice %arg11[%mul3A_21, %dma_start3A_53] : memref<125x80xi32, #tpu.memory_space<vmem>> -> memref<1x80xi32, #tpu.memory_space<vmem>>
        %dma_start3A_55 = tpu.memref_squeeze %dma_start3A_54 : memref<1x80xi32, #tpu.memory_space<vmem>> -> memref<80xi32, #tpu.memory_space<vmem>>
        %dma_start3A_56 = arith.constant 0 : i32
        %dma_start3A_57 = arith.constant 0 : i32
        %dma_start3A_58 = tpu.memref_slice %arg18[%dma_start3A_56, %dma_start3A_57] : memref<10000x8xf32, #tpu.memory_space<vmem_shared>> -> memref<10000x8xf32, #tpu.memory_space<vmem_shared>>
        tpu.enqueue_indirect_dma source(%arg17 : memref<80x8xf32, #tpu.memory_space<vmem>>) target(%dma_start3A_58 : memref<10000x8xf32, #tpu.memory_space<vmem_shared>>) offsets(%dma_start3A_55 : memref<80xi32, #tpu.memory_space<vmem>>) semaphore(%run_scoped3A_52 : memref<!tpu.dma_semaphore, #tpu.memory_space<semaphore_mem>>) {add = true}
        %dma_wait3A_59 = arith.constant 0 : i32
        %dma_wait3A_60 = tpu.memref_slice %arg11[%mul3A_21, %dma_wait3A_59] : memref<125x80xi32, #tpu.memory_space<vmem>> -> memref<1x80xi32, #tpu.memory_space<vmem>>
        %dma_wait3A_61 = tpu.memref_squeeze %dma_wait3A_60 : memref<1x80xi32, #tpu.memory_space<vmem>> -> memref<80xi32, #tpu.memory_space<vmem>>
        %dma_wait3A_62 = arith.constant 0 : i32
        %dma_wait3A_63 = arith.constant 0 : i32
        %dma_wait3A_64 = tpu.memref_slice %arg18[%dma_wait3A_62, %dma_wait3A_63] : memref<10000x8xf32, #tpu.memory_space<vmem_shared>> -> memref<10000x8xf32, #tpu.memory_space<vmem_shared>>
        tpu.wait_indirect_dma semaphore(%run_scoped3A_52 : memref<!tpu.dma_semaphore, #tpu.memory_space<semaphore_mem>>) src(%arg17 : memref<80x8xf32, #tpu.memory_space<vmem>>) dst(%dma_wait3A_64 : memref<10000x8xf32, #tpu.memory_space<vmem_shared>>)
        tpu.yield
      }) : () -> ()
      %add3A_36 = arith.constant 2 : i32
      %add3A_37 = arith.addi %mul3A_21, %add3A_36 : i32
      %mul3A_38 = arith.constant 80 : i32
      %mul3A_39 = arith.muli %add3A_37, %mul3A_38 : i32
      %dma_start3A_40 = tpu.memref_slice %arg10[%mul3A_39] : memref<10000xi32, #tpu.memory_space<vmem>> -> memref<80xi32, #tpu.memory_space<vmem>>
      %dma_start3A_41 = arith.constant 0 : i32
      %dma_start3A_42 = arith.constant 0 : i32
      %dma_start3A_43 = tpu.memref_slice %arg2[%dma_start3A_41, %dma_start3A_42] : memref<10000x128xf32, #tpu.memory_space<hbm>> -> memref<10000x128xf32, #tpu.memory_space<hbm>>
      tpu.enqueue_indirect_dma source(%dma_start3A_43 : memref<10000x128xf32, #tpu.memory_space<hbm>>) target(%arg12 : memref<80x128xf32, #tpu.memory_space<vmem>>) offsets(%dma_start3A_40 : memref<80xi32, #tpu.memory_space<vmem>>) semaphore(%arg15 : memref<!tpu.dma_semaphore, #tpu.memory_space<semaphore_mem>>)
      %dma_wait3A_44 = arith.constant 0 : i32
      %dma_wait3A_45 = arith.constant 0 : i32
      %dma_wait3A_46 = tpu.memref_slice %arg2[%dma_wait3A_44, %dma_wait3A_45] : memref<10000x128xf32, #tpu.memory_space<hbm>> -> memref<80x128xf32, #tpu.memory_space<hbm>>
      %dma_wait3A_47 = arith.constant 0 : i32
      %dma_wait3A_48 = arith.constant 0 : i32
      %dma_wait3A_49 = tpu.memref_slice %arg2[%dma_wait3A_47, %dma_wait3A_48] : memref<10000x128xf32, #tpu.memory_space<hbm>> -> memref<80x128xf32, #tpu.memory_space<hbm>>
      tpu.wait_dma2 semaphore(%arg16 : memref<!tpu.dma_semaphore, #tpu.memory_space<semaphore_mem>>) src(%dma_wait3A_49 : memref<80x128xf32, #tpu.memory_space<hbm>>) dst(%arg13 : memref<80x128xf32, #tpu.memory_space<vmem>>)
      %add3A_50 = arith.constant 1 : i32
      %add3A_51 = arith.addi %mul3A_21, %add3A_50 : i32
      "tpu.region"() ({
        %run_scoped3A_52 = tpu.sem_alloc : memref<!tpu.dma_semaphore, #tpu.memory_space<semaphore_mem>>
        %dma_start3A_53 = arith.constant 0 : i32
        %dma_start3A_54 = tpu.memref_slice %arg11[%add3A_51, %dma_start3A_53] : memref<125x80xi32, #tpu.memory_space<vmem>> -> memref<1x80xi32, #tpu.memory_space<vmem>>
        %dma_start3A_55 = tpu.memref_squeeze %dma_start3A_54 : memref<1x80xi32, #tpu.memory_space<vmem>> -> memref<80xi32, #tpu.memory_space<vmem>>
        %dma_start3A_56 = arith.constant 0 : i32
        %dma_start3A_57 = arith.constant 0 : i32
        %dma_start3A_58 = tpu.memref_slice %arg14[%dma_start3A_56, %dma_start3A_57] : memref<10000x128xf32, #tpu.memory_space<vmem_shared>> -> memref<10000x128xf32, #tpu.memory_space<vmem_shared>>
        tpu.enqueue_indirect_dma source(%arg13 : memref<80x128xf32, #tpu.memory_space<vmem>>) target(%dma_start3A_58 : memref<10000x128xf32, #tpu.memory_space<vmem_shared>>) offsets(%dma_start3A_55 : memref<80xi32, #tpu.memory_space<vmem>>) semaphore(%run_scoped3A_52 : memref<!tpu.dma_semaphore, #tpu.memory_space<semaphore_mem>>) {add = true}
        %dma_wait3A_59 = arith.constant 0 : i32
        %dma_wait3A_60 = tpu.memref_slice %arg11[%add3A_51, %dma_wait3A_59] : memref<125x80xi32, #tpu.memory_space<vmem>> -> memref<1x80xi32, #tpu.memory_space<vmem>>
        %dma_wait3A_61 = tpu.memref_squeeze %dma_wait3A_60 : memref<1x80xi32, #tpu.memory_space<vmem>> -> memref<80xi32, #tpu.memory_space<vmem>>
        %dma_wait3A_62 = arith.constant 0 : i32
        %dma_wait3A_63 = arith.constant 0 : i32
        %dma_wait3A_64 = tpu.memref_slice %arg14[%dma_wait3A_62, %dma_wait3A_63] : memref<10000x128xf32, #tpu.memory_space<vmem_shared>> -> memref<10000x128xf32, #tpu.memory_space<vmem_shared>>
        tpu.wait_indirect_dma semaphore(%run_scoped3A_52 : memref<!tpu.dma_semaphore, #tpu.memory_space<semaphore_mem>>) src(%arg13 : memref<80x128xf32, #tpu.memory_space<vmem>>) dst(%dma_wait3A_64 : memref<10000x128xf32, #tpu.memory_space<vmem_shared>>)
        tpu.yield
      }) : () -> ()
      "tpu.region"() ({
        %run_scoped3A_52 = tpu.sem_alloc : memref<!tpu.dma_semaphore, #tpu.memory_space<semaphore_mem>>
        %dma_start3A_53 = arith.constant 0 : i32
        %dma_start3A_54 = tpu.memref_slice %arg11[%add3A_51, %dma_start3A_53] : memref<125x80xi32, #tpu.memory_space<vmem>> -> memref<1x80xi32, #tpu.memory_space<vmem>>
        %dma_start3A_55 = tpu.memref_squeeze %dma_start3A_54 : memref<1x80xi32, #tpu.memory_space<vmem>> -> memref<80xi32, #tpu.memory_space<vmem>>
        %dma_start3A_56 = arith.constant 0 : i32
        %dma_start3A_57 = arith.constant 0 : i32
        %dma_start3A_58 = tpu.memref_slice %arg18[%dma_start3A_56, %dma_start3A_57] : memref<10000x8xf32, #tpu.memory_space<vmem_shared>> -> memref<10000x8xf32, #tpu.memory_space<vmem_shared>>
        tpu.enqueue_indirect_dma source(%arg17 : memref<80x8xf32, #tpu.memory_space<vmem>>) target(%dma_start3A_58 : memref<10000x8xf32, #tpu.memory_space<vmem_shared>>) offsets(%dma_start3A_55 : memref<80xi32, #tpu.memory_space<vmem>>) semaphore(%run_scoped3A_52 : memref<!tpu.dma_semaphore, #tpu.memory_space<semaphore_mem>>) {add = true}
        %dma_wait3A_59 = arith.constant 0 : i32
        %dma_wait3A_60 = tpu.memref_slice %arg11[%add3A_51, %dma_wait3A_59] : memref<125x80xi32, #tpu.memory_space<vmem>> -> memref<1x80xi32, #tpu.memory_space<vmem>>
        %dma_wait3A_61 = tpu.memref_squeeze %dma_wait3A_60 : memref<1x80xi32, #tpu.memory_space<vmem>> -> memref<80xi32, #tpu.memory_space<vmem>>
        %dma_wait3A_62 = arith.constant 0 : i32
        %dma_wait3A_63 = arith.constant 0 : i32
        %dma_wait3A_64 = tpu.memref_slice %arg18[%dma_wait3A_62, %dma_wait3A_63] : memref<10000x8xf32, #tpu.memory_space<vmem_shared>> -> memref<10000x8xf32, #tpu.memory_space<vmem_shared>>
        tpu.wait_indirect_dma semaphore(%run_scoped3A_52 : memref<!tpu.dma_semaphore, #tpu.memory_space<semaphore_mem>>) src(%arg17 : memref<80x8xf32, #tpu.memory_space<vmem>>) dst(%dma_wait3A_64 : memref<10000x8xf32, #tpu.memory_space<vmem_shared>>)
        tpu.yield
      }) : () -> ()
    }
    %scan3A_11 = arith.constant 62 : i32
    %dma_wait3A = arith.constant 0 : i32
    %dma_wait3A_12 = arith.constant 0 : i32
    %dma_wait3A_13 = tpu.memref_slice %arg2[%dma_wait3A, %dma_wait3A_12] : memref<10000x128xf32, #tpu.memory_space<hbm>> -> memref<80x128xf32, #tpu.memory_space<hbm>>
    %dma_wait3A_14 = arith.constant 0 : i32
    %dma_wait3A_15 = arith.constant 0 : i32
    %dma_wait3A_16 = tpu.memref_slice %arg2[%dma_wait3A_14, %dma_wait3A_15] : memref<10000x128xf32, #tpu.memory_space<hbm>> -> memref<80x128xf32, #tpu.memory_space<hbm>>
    tpu.wait_dma2 semaphore(%arg15 : memref<!tpu.dma_semaphore, #tpu.memory_space<semaphore_mem>>) src(%dma_wait3A_16 : memref<80x128xf32, #tpu.memory_space<hbm>>) dst(%arg12 : memref<80x128xf32, #tpu.memory_space<vmem>>)
    %run_scoped3A = arith.constant 124 : i32
    "tpu.region"() ({
      %run_scoped3A_19 = tpu.sem_alloc : memref<!tpu.dma_semaphore, #tpu.memory_space<semaphore_mem>>
      %dma_start3A_20 = arith.constant 0 : i32
      %dma_start3A_21 = tpu.memref_slice %arg11[%run_scoped3A, %dma_start3A_20] : memref<125x80xi32, #tpu.memory_space<vmem>> -> memref<1x80xi32, #tpu.memory_space<vmem>>
      %dma_start3A_22 = tpu.memref_squeeze %dma_start3A_21 : memref<1x80xi32, #tpu.memory_space<vmem>> -> memref<80xi32, #tpu.memory_space<vmem>>
      %dma_start3A_23 = arith.constant 0 : i32
      %dma_start3A_24 = arith.constant 0 : i32
      %dma_start3A_25 = tpu.memref_slice %arg14[%dma_start3A_23, %dma_start3A_24] : memref<10000x128xf32, #tpu.memory_space<vmem_shared>> -> memref<10000x128xf32, #tpu.memory_space<vmem_shared>>
      tpu.enqueue_indirect_dma source(%arg12 : memref<80x128xf32, #tpu.memory_space<vmem>>) target(%dma_start3A_25 : memref<10000x128xf32, #tpu.memory_space<vmem_shared>>) offsets(%dma_start3A_22 : memref<80xi32, #tpu.memory_space<vmem>>) semaphore(%run_scoped3A_19 : memref<!tpu.dma_semaphore, #tpu.memory_space<semaphore_mem>>) {add = true}
      %dma_wait3A_26 = arith.constant 0 : i32
      %dma_wait3A_27 = tpu.memref_slice %arg11[%run_scoped3A, %dma_wait3A_26] : memref<125x80xi32, #tpu.memory_space<vmem>> -> memref<1x80xi32, #tpu.memory_space<vmem>>
      %dma_wait3A_28 = tpu.memref_squeeze %dma_wait3A_27 : memref<1x80xi32, #tpu.memory_space<vmem>> -> memref<80xi32, #tpu.memory_space<vmem>>
      %dma_wait3A_29 = arith.constant 0 : i32
      %dma_wait3A_30 = arith.constant 0 : i32
      %dma_wait3A_31 = tpu.memref_slice %arg14[%dma_wait3A_29, %dma_wait3A_30] : memref<10000x128xf32, #tpu.memory_space<vmem_shared>> -> memref<10000x128xf32, #tpu.memory_space<vmem_shared>>
      tpu.wait_indirect_dma semaphore(%run_scoped3A_19 : memref<!tpu.dma_semaphore, #tpu.memory_space<semaphore_mem>>) src(%arg12 : memref<80x128xf32, #tpu.memory_space<vmem>>) dst(%dma_wait3A_31 : memref<10000x128xf32, #tpu.memory_space<vmem_shared>>)
      tpu.yield
    }) : () -> ()
    %run_scoped3A_17 = arith.constant 124 : i32
    "tpu.region"() ({
      %run_scoped3A_19 = tpu.sem_alloc : memref<!tpu.dma_semaphore, #tpu.memory_space<semaphore_mem>>
      %dma_start3A_20 = arith.constant 0 : i32
      %dma_start3A_21 = tpu.memref_slice %arg11[%run_scoped3A_17, %dma_start3A_20] : memref<125x80xi32, #tpu.memory_space<vmem>> -> memref<1x80xi32, #tpu.memory_space<vmem>>
      %dma_start3A_22 = tpu.memref_squeeze %dma_start3A_21 : memref<1x80xi32, #tpu.memory_space<vmem>> -> memref<80xi32, #tpu.memory_space<vmem>>
      %dma_start3A_23 = arith.constant 0 : i32
      %dma_start3A_24 = arith.constant 0 : i32
      %dma_start3A_25 = tpu.memref_slice %arg18[%dma_start3A_23, %dma_start3A_24] : memref<10000x8xf32, #tpu.memory_space<vmem_shared>> -> memref<10000x8xf32, #tpu.memory_space<vmem_shared>>
      tpu.enqueue_indirect_dma source(%arg17 : memref<80x8xf32, #tpu.memory_space<vmem>>) target(%dma_start3A_25 : memref<10000x8xf32, #tpu.memory_space<vmem_shared>>) offsets(%dma_start3A_22 : memref<80xi32, #tpu.memory_space<vmem>>) semaphore(%run_scoped3A_19 : memref<!tpu.dma_semaphore, #tpu.memory_space<semaphore_mem>>) {add = true}
      %dma_wait3A_26 = arith.constant 0 : i32
      %dma_wait3A_27 = tpu.memref_slice %arg11[%run_scoped3A_17, %dma_wait3A_26] : memref<125x80xi32, #tpu.memory_space<vmem>> -> memref<1x80xi32, #tpu.memory_space<vmem>>
      %dma_wait3A_28 = tpu.memref_squeeze %dma_wait3A_27 : memref<1x80xi32, #tpu.memory_space<vmem>> -> memref<80xi32, #tpu.memory_space<vmem>>
      %dma_wait3A_29 = arith.constant 0 : i32
      %dma_wait3A_30 = arith.constant 0 : i32
      %dma_wait3A_31 = tpu.memref_slice %arg18[%dma_wait3A_29, %dma_wait3A_30] : memref<10000x8xf32, #tpu.memory_space<vmem_shared>> -> memref<10000x8xf32, #tpu.memory_space<vmem_shared>>
      tpu.wait_indirect_dma semaphore(%run_scoped3A_19 : memref<!tpu.dma_semaphore, #tpu.memory_space<semaphore_mem>>) src(%arg17 : memref<80x8xf32, #tpu.memory_space<vmem>>) dst(%dma_wait3A_31 : memref<10000x8xf32, #tpu.memory_space<vmem_shared>>)
      tpu.yield
    }) : () -> ()
    %barrier3A_18 = arith.constant 0 : index
    tpu.barrier barrier_id(%barrier3A_18)
    "tpu.region"() ({
      %run_scoped3A_19 = tpu.sem_alloc : memref<!tpu.dma_semaphore, #tpu.memory_space<semaphore_mem>>
      %dma_start3A_20 = arith.constant 0 : i32
      %dma_start3A_21 = tpu.memref_slice %arg8[%arg0, %mul3A_2, %dma_start3A_20] : memref<2x10000x128xf32, #tpu.memory_space<hbm>> -> memref<1x640x128xf32, #tpu.memory_space<hbm>>
      %dma_start3A_22 = tpu.memref_squeeze %dma_start3A_21 : memref<1x640x128xf32, #tpu.memory_space<hbm>> -> memref<640x128xf32, #tpu.memory_space<hbm>>
      %dma_start3A_23 = arith.constant 0 : i32
      %dma_start3A_24 = tpu.memref_slice %arg14[%mul3A_2, %dma_start3A_23] : memref<10000x128xf32, #tpu.memory_space<vmem_shared>> -> memref<640x128xf32, #tpu.memory_space<vmem_shared>>
      tpu.enqueue_dma source(%dma_start3A_24 : memref<640x128xf32, #tpu.memory_space<vmem_shared>>) target(%dma_start3A_22 : memref<640x128xf32, #tpu.memory_space<hbm>>) target_semaphore(%run_scoped3A_19 : memref<!tpu.dma_semaphore, #tpu.memory_space<semaphore_mem>>)
      %dma_wait3A_25 = arith.constant 0 : i32
      %dma_wait3A_26 = tpu.memref_slice %arg8[%arg0, %mul3A_2, %dma_wait3A_25] : memref<2x10000x128xf32, #tpu.memory_space<hbm>> -> memref<1x640x128xf32, #tpu.memory_space<hbm>>
      %dma_wait3A_27 = tpu.memref_squeeze %dma_wait3A_26 : memref<1x640x128xf32, #tpu.memory_space<hbm>> -> memref<640x128xf32, #tpu.memory_space<hbm>>
      %dma_wait3A_28 = arith.constant 0 : i32
      %dma_wait3A_29 = tpu.memref_slice %arg14[%mul3A_2, %dma_wait3A_28] : memref<10000x128xf32, #tpu.memory_space<vmem_shared>> -> memref<640x128xf32, #tpu.memory_space<vmem_shared>>
      tpu.wait_dma2 semaphore(%run_scoped3A_19 : memref<!tpu.dma_semaphore, #tpu.memory_space<semaphore_mem>>) src(%dma_wait3A_29 : memref<640x128xf32, #tpu.memory_space<vmem_shared>>) dst(%dma_wait3A_27 : memref<640x128xf32, #tpu.memory_space<hbm>>)
      tpu.yield
    }) : () -> ()
    "tpu.region"() ({
      %run_scoped3A_19 = tpu.sem_alloc : memref<!tpu.dma_semaphore, #tpu.memory_space<semaphore_mem>>
      %dma_start3A_20 = arith.constant 0 : i32
      %dma_start3A_21 = tpu.memref_slice %arg9[%arg0, %mul3A_2, %dma_start3A_20] : memref<2x10000x8xf32, #tpu.memory_space<hbm>> -> memref<1x640x8xf32, #tpu.memory_space<hbm>>
      %dma_start3A_22 = tpu.memref_squeeze %dma_start3A_21 : memref<1x640x8xf32, #tpu.memory_space<hbm>> -> memref<640x8xf32, #tpu.memory_space<hbm>>
      %dma_start3A_23 = arith.constant 0 : i32
      %dma_start3A_24 = tpu.memref_slice %arg18[%mul3A_2, %dma_start3A_23] : memref<10000x8xf32, #tpu.memory_space<vmem_shared>> -> memref<640x8xf32, #tpu.memory_space<vmem_shared>>
      tpu.enqueue_dma source(%dma_start3A_24 : memref<640x8xf32, #tpu.memory_space<vmem_shared>>) target(%dma_start3A_22 : memref<640x8xf32, #tpu.memory_space<hbm>>) target_semaphore(%run_scoped3A_19 : memref<!tpu.dma_semaphore, #tpu.memory_space<semaphore_mem>>)
      %dma_wait3A_25 = arith.constant 0 : i32
      %dma_wait3A_26 = tpu.memref_slice %arg9[%arg0, %mul3A_2, %dma_wait3A_25] : memref<2x10000x8xf32, #tpu.memory_space<hbm>> -> memref<1x640x8xf32, #tpu.memory_space<hbm>>
      %dma_wait3A_27 = tpu.memref_squeeze %dma_wait3A_26 : memref<1x640x8xf32, #tpu.memory_space<hbm>> -> memref<640x8xf32, #tpu.memory_space<hbm>>
      %dma_wait3A_28 = arith.constant 0 : i32
      %dma_wait3A_29 = tpu.memref_slice %arg18[%mul3A_2, %dma_wait3A_28] : memref<10000x8xf32, #tpu.memory_space<vmem_shared>> -> memref<640x8xf32, #tpu.memory_space<vmem_shared>>
      tpu.wait_dma2 semaphore(%run_scoped3A_19 : memref<!tpu.dma_semaphore, #tpu.memory_space<semaphore_mem>>) src(%dma_wait3A_29 : memref<640x8xf32, #tpu.memory_space<vmem_shared>>) dst(%dma_wait3A_27 : memref<640x8xf32, #tpu.memory_space<hbm>>)
      tpu.yield
    }) : () -> ()
    return
  }
}

#map = affine_map<(d0, d1) -> (0, 0)>
#map1 = affine_map<(d0, d1) -> (0, 0, 0)>
module attributes {stable_mosaic.version = 14 : i64} {
  func.func @body(%arg0: i32, %arg1: i32, %arg2: memref<10000x128xf32, #tpu.memory_space<hbm>>, %arg3: memref<32x10000xi32, #tpu.memory_space<hbm>>, %arg4: memref<32x125x80xi32, #tpu.memory_space<hbm>>, %arg5: memref<640x128xf32, #tpu.memory_space<hbm>>, %arg6: memref<2x10000x128xf32, #tpu.memory_space<hbm>>, %arg7: memref<10000xi32, #tpu.memory_space<vmem>>, %arg8: memref<125x80xi32, #tpu.memory_space<vmem>>, %arg9: memref<80x128xf32, #tpu.memory_space<vmem>>, %arg10: memref<80x128xf32, #tpu.memory_space<vmem>>, %arg11: memref<10000x128xf32, #tpu.memory_space<vmem_shared>>, %arg12: memref<!tpu.dma_semaphore, #tpu.memory_space<semaphore_mem>>, %arg13: memref<!tpu.dma_semaphore, #tpu.memory_space<semaphore_mem>>) attributes {dimension_semantics = [#tpu.dimension_semantics<core_parallel>, #tpu.dimension_semantics<subcore_parallel>], iteration_bounds = array<i64: 2, 16>, scalar_prefetch = 0 : i64, scratch_operands = 7 : i64, tpu.core_type = #tpu.core_type<sc_vector_subcore>, window_params = [{transform_indices = #map}, {transform_indices = #map}, {transform_indices = #map1}, {transform_indices = #map}, {transform_indices = #map1}]} {
    %mul3A = arith.constant 2 : i32
    %mul3A_0 = arith.muli %arg1, %mul3A : i32
    %add3A = arith.addi %mul3A_0, %arg0 : i32
    %mul3A_1 = arith.constant 624 : i32
    %mul3A_2 = arith.muli %arg1, %mul3A_1 : i32
    "tpu.region"() ({
      %run_scoped3A_18 = tpu.sem_alloc : memref<!tpu.dma_semaphore, #tpu.memory_space<semaphore_mem>>
      %dma_start3A_19 = arith.constant 0 : i32
      %dma_start3A_20 = tpu.memref_slice %arg11[%mul3A_2, %dma_start3A_19] : memref<10000x128xf32, #tpu.memory_space<vmem_shared>> -> memref<640x128xf32, #tpu.memory_space<vmem_shared>>
      tpu.enqueue_dma source(%arg5 : memref<640x128xf32, #tpu.memory_space<hbm>>) target(%dma_start3A_20 : memref<640x128xf32, #tpu.memory_space<vmem_shared>>) target_semaphore(%run_scoped3A_18 : memref<!tpu.dma_semaphore, #tpu.memory_space<semaphore_mem>>)
      %dma_wait3A_21 = arith.constant 0 : i32
      %dma_wait3A_22 = tpu.memref_slice %arg11[%mul3A_2, %dma_wait3A_21] : memref<10000x128xf32, #tpu.memory_space<vmem_shared>> -> memref<640x128xf32, #tpu.memory_space<vmem_shared>>
      tpu.wait_dma2 semaphore(%run_scoped3A_18 : memref<!tpu.dma_semaphore, #tpu.memory_space<semaphore_mem>>) src(%arg5 : memref<640x128xf32, #tpu.memory_space<hbm>>) dst(%dma_wait3A_22 : memref<640x128xf32, #tpu.memory_space<vmem_shared>>)
      tpu.yield
    }) : () -> ()
    "tpu.region"() ({
      %run_scoped3A_18 = tpu.sem_alloc : memref<!tpu.dma_semaphore, #tpu.memory_space<semaphore_mem>>
      %dma_start3A_19 = arith.constant 0 : i32
      %dma_start3A_20 = tpu.memref_slice %arg3[%add3A, %dma_start3A_19] : memref<32x10000xi32, #tpu.memory_space<hbm>> -> memref<1x10000xi32, #tpu.memory_space<hbm>>
      %dma_start3A_21 = tpu.memref_squeeze %dma_start3A_20 : memref<1x10000xi32, #tpu.memory_space<hbm>> -> memref<10000xi32, #tpu.memory_space<hbm>>
      %dma_start3A_22 = arith.constant 0 : i32
      %dma_start3A_23 = tpu.memref_slice %arg3[%add3A, %dma_start3A_22] : memref<32x10000xi32, #tpu.memory_space<hbm>> -> memref<1x10000xi32, #tpu.memory_space<hbm>>
      %dma_start3A_24 = tpu.memref_squeeze %dma_start3A_23 : memref<1x10000xi32, #tpu.memory_space<hbm>> -> memref<10000xi32, #tpu.memory_space<hbm>>
      tpu.enqueue_dma source(%dma_start3A_24 : memref<10000xi32, #tpu.memory_space<hbm>>) target(%arg7 : memref<10000xi32, #tpu.memory_space<vmem>>) target_semaphore(%run_scoped3A_18 : memref<!tpu.dma_semaphore, #tpu.memory_space<semaphore_mem>>)
      %dma_wait3A_25 = arith.constant 0 : i32
      %dma_wait3A_26 = tpu.memref_slice %arg3[%add3A, %dma_wait3A_25] : memref<32x10000xi32, #tpu.memory_space<hbm>> -> memref<1x10000xi32, #tpu.memory_space<hbm>>
      %dma_wait3A_27 = tpu.memref_squeeze %dma_wait3A_26 : memref<1x10000xi32, #tpu.memory_space<hbm>> -> memref<10000xi32, #tpu.memory_space<hbm>>
      %dma_wait3A_28 = arith.constant 0 : i32
      %dma_wait3A_29 = tpu.memref_slice %arg3[%add3A, %dma_wait3A_28] : memref<32x10000xi32, #tpu.memory_space<hbm>> -> memref<1x10000xi32, #tpu.memory_space<hbm>>
      %dma_wait3A_30 = tpu.memref_squeeze %dma_wait3A_29 : memref<1x10000xi32, #tpu.memory_space<hbm>> -> memref<10000xi32, #tpu.memory_space<hbm>>
      tpu.wait_dma2 semaphore(%run_scoped3A_18 : memref<!tpu.dma_semaphore, #tpu.memory_space<semaphore_mem>>) src(%dma_wait3A_30 : memref<10000xi32, #tpu.memory_space<hbm>>) dst(%arg7 : memref<10000xi32, #tpu.memory_space<vmem>>)
      tpu.yield
    }) : () -> ()
    "tpu.region"() ({
      %run_scoped3A_18 = tpu.sem_alloc : memref<!tpu.dma_semaphore, #tpu.memory_space<semaphore_mem>>
      %dma_start3A_19 = arith.constant 0 : i32
      %dma_start3A_20 = arith.constant 0 : i32
      %dma_start3A_21 = tpu.memref_slice %arg4[%add3A, %dma_start3A_19, %dma_start3A_20] : memref<32x125x80xi32, #tpu.memory_space<hbm>> -> memref<1x125x80xi32, #tpu.memory_space<hbm>>
      %dma_start3A_22 = tpu.memref_squeeze %dma_start3A_21 : memref<1x125x80xi32, #tpu.memory_space<hbm>> -> memref<125x80xi32, #tpu.memory_space<hbm>>
      %dma_start3A_23 = arith.constant 0 : i32
      %dma_start3A_24 = arith.constant 0 : i32
      %dma_start3A_25 = tpu.memref_slice %arg4[%add3A, %dma_start3A_23, %dma_start3A_24] : memref<32x125x80xi32, #tpu.memory_space<hbm>> -> memref<1x125x80xi32, #tpu.memory_space<hbm>>
      %dma_start3A_26 = tpu.memref_squeeze %dma_start3A_25 : memref<1x125x80xi32, #tpu.memory_space<hbm>> -> memref<125x80xi32, #tpu.memory_space<hbm>>
      tpu.enqueue_dma source(%dma_start3A_26 : memref<125x80xi32, #tpu.memory_space<hbm>>) target(%arg8 : memref<125x80xi32, #tpu.memory_space<vmem>>) target_semaphore(%run_scoped3A_18 : memref<!tpu.dma_semaphore, #tpu.memory_space<semaphore_mem>>)
      %dma_wait3A_27 = arith.constant 0 : i32
      %dma_wait3A_28 = arith.constant 0 : i32
      %dma_wait3A_29 = tpu.memref_slice %arg4[%add3A, %dma_wait3A_27, %dma_wait3A_28] : memref<32x125x80xi32, #tpu.memory_space<hbm>> -> memref<1x125x80xi32, #tpu.memory_space<hbm>>
      %dma_wait3A_30 = tpu.memref_squeeze %dma_wait3A_29 : memref<1x125x80xi32, #tpu.memory_space<hbm>> -> memref<125x80xi32, #tpu.memory_space<hbm>>
      %dma_wait3A_31 = arith.constant 0 : i32
      %dma_wait3A_32 = arith.constant 0 : i32
      %dma_wait3A_33 = tpu.memref_slice %arg4[%add3A, %dma_wait3A_31, %dma_wait3A_32] : memref<32x125x80xi32, #tpu.memory_space<hbm>> -> memref<1x125x80xi32, #tpu.memory_space<hbm>>
      %dma_wait3A_34 = tpu.memref_squeeze %dma_wait3A_33 : memref<1x125x80xi32, #tpu.memory_space<hbm>> -> memref<125x80xi32, #tpu.memory_space<hbm>>
      tpu.wait_dma2 semaphore(%run_scoped3A_18 : memref<!tpu.dma_semaphore, #tpu.memory_space<semaphore_mem>>) src(%dma_wait3A_34 : memref<125x80xi32, #tpu.memory_space<hbm>>) dst(%arg8 : memref<125x80xi32, #tpu.memory_space<vmem>>)
      tpu.yield
    }) : () -> ()
    %barrier3A = arith.constant 0 : index
    tpu.barrier barrier_id(%barrier3A)
    %dma_start3A = arith.constant 0 : i32
    %dma_start3A_3 = tpu.memref_slice %arg7[%dma_start3A] : memref<10000xi32, #tpu.memory_space<vmem>> -> memref<80xi32, #tpu.memory_space<vmem>>
    %dma_start3A_4 = arith.constant 0 : i32
    %dma_start3A_5 = arith.constant 0 : i32
    %dma_start3A_6 = tpu.memref_slice %arg2[%dma_start3A_4, %dma_start3A_5] : memref<10000x128xf32, #tpu.memory_space<hbm>> -> memref<10000x128xf32, #tpu.memory_space<hbm>>
    tpu.enqueue_indirect_dma source(%dma_start3A_6 : memref<10000x128xf32, #tpu.memory_space<hbm>>) target(%arg9 : memref<80x128xf32, #tpu.memory_space<vmem>>) offsets(%dma_start3A_3 : memref<80xi32, #tpu.memory_space<vmem>>) semaphore(%arg12 : memref<!tpu.dma_semaphore, #tpu.memory_space<semaphore_mem>>)
    %scan3A = arith.constant 0 : i32
    %scan3A_7 = arith.constant 0 : i32
    %scan3A_8 = arith.constant 62 : i32
    %scan3A_9 = arith.addi %scan3A_7, %scan3A_8 : i32
    %scan3A_10 = arith.constant 1 : i32
    scf.for %scan3A_18 = %scan3A_7 to %scan3A_9 step %scan3A_10  : i32 {
      %mul3A_19 = arith.constant 2 : i32
      %mul3A_20 = arith.muli %mul3A_19, %scan3A_18 : i32
      %add3A_21 = arith.constant 1 : i32
      %add3A_22 = arith.addi %mul3A_20, %add3A_21 : i32
      %mul3A_23 = arith.constant 80 : i32
      %mul3A_24 = arith.muli %add3A_22, %mul3A_23 : i32
      %dma_start3A_25 = tpu.memref_slice %arg7[%mul3A_24] : memref<10000xi32, #tpu.memory_space<vmem>> -> memref<80xi32, #tpu.memory_space<vmem>>
      %dma_start3A_26 = arith.constant 0 : i32
      %dma_start3A_27 = arith.constant 0 : i32
      %dma_start3A_28 = tpu.memref_slice %arg2[%dma_start3A_26, %dma_start3A_27] : memref<10000x128xf32, #tpu.memory_space<hbm>> -> memref<10000x128xf32, #tpu.memory_space<hbm>>
      tpu.enqueue_indirect_dma source(%dma_start3A_28 : memref<10000x128xf32, #tpu.memory_space<hbm>>) target(%arg10 : memref<80x128xf32, #tpu.memory_space<vmem>>) offsets(%dma_start3A_25 : memref<80xi32, #tpu.memory_space<vmem>>) semaphore(%arg13 : memref<!tpu.dma_semaphore, #tpu.memory_space<semaphore_mem>>)
      %dma_wait3A_29 = arith.constant 0 : i32
      %dma_wait3A_30 = arith.constant 0 : i32
      %dma_wait3A_31 = tpu.memref_slice %arg2[%dma_wait3A_29, %dma_wait3A_30] : memref<10000x128xf32, #tpu.memory_space<hbm>> -> memref<80x128xf32, #tpu.memory_space<hbm>>
      %dma_wait3A_32 = arith.constant 0 : i32
      %dma_wait3A_33 = arith.constant 0 : i32
      %dma_wait3A_34 = tpu.memref_slice %arg2[%dma_wait3A_32, %dma_wait3A_33] : memref<10000x128xf32, #tpu.memory_space<hbm>> -> memref<80x128xf32, #tpu.memory_space<hbm>>
      tpu.wait_dma2 semaphore(%arg12 : memref<!tpu.dma_semaphore, #tpu.memory_space<semaphore_mem>>) src(%dma_wait3A_34 : memref<80x128xf32, #tpu.memory_space<hbm>>) dst(%arg9 : memref<80x128xf32, #tpu.memory_space<vmem>>)
      "tpu.region"() ({
        %run_scoped3A_51 = tpu.sem_alloc : memref<!tpu.dma_semaphore, #tpu.memory_space<semaphore_mem>>
        %dma_start3A_52 = arith.constant 0 : i32
        %dma_start3A_53 = tpu.memref_slice %arg8[%mul3A_20, %dma_start3A_52] : memref<125x80xi32, #tpu.memory_space<vmem>> -> memref<1x80xi32, #tpu.memory_space<vmem>>
        %dma_start3A_54 = tpu.memref_squeeze %dma_start3A_53 : memref<1x80xi32, #tpu.memory_space<vmem>> -> memref<80xi32, #tpu.memory_space<vmem>>
        %dma_start3A_55 = arith.constant 0 : i32
        %dma_start3A_56 = arith.constant 0 : i32
        %dma_start3A_57 = tpu.memref_slice %arg11[%dma_start3A_55, %dma_start3A_56] : memref<10000x128xf32, #tpu.memory_space<vmem_shared>> -> memref<10000x128xf32, #tpu.memory_space<vmem_shared>>
        tpu.enqueue_indirect_dma source(%arg9 : memref<80x128xf32, #tpu.memory_space<vmem>>) target(%dma_start3A_57 : memref<10000x128xf32, #tpu.memory_space<vmem_shared>>) offsets(%dma_start3A_54 : memref<80xi32, #tpu.memory_space<vmem>>) semaphore(%run_scoped3A_51 : memref<!tpu.dma_semaphore, #tpu.memory_space<semaphore_mem>>) {add = true}
        %dma_wait3A_58 = arith.constant 0 : i32
        %dma_wait3A_59 = tpu.memref_slice %arg8[%mul3A_20, %dma_wait3A_58] : memref<125x80xi32, #tpu.memory_space<vmem>> -> memref<1x80xi32, #tpu.memory_space<vmem>>
        %dma_wait3A_60 = tpu.memref_squeeze %dma_wait3A_59 : memref<1x80xi32, #tpu.memory_space<vmem>> -> memref<80xi32, #tpu.memory_space<vmem>>
        %dma_wait3A_61 = arith.constant 0 : i32
        %dma_wait3A_62 = arith.constant 0 : i32
        %dma_wait3A_63 = tpu.memref_slice %arg11[%dma_wait3A_61, %dma_wait3A_62] : memref<10000x128xf32, #tpu.memory_space<vmem_shared>> -> memref<10000x128xf32, #tpu.memory_space<vmem_shared>>
        tpu.wait_indirect_dma semaphore(%run_scoped3A_51 : memref<!tpu.dma_semaphore, #tpu.memory_space<semaphore_mem>>) src(%arg9 : memref<80x128xf32, #tpu.memory_space<vmem>>) dst(%dma_wait3A_63 : memref<10000x128xf32, #tpu.memory_space<vmem_shared>>)
        tpu.yield
      }) : () -> ()
      %add3A_35 = arith.constant 2 : i32
      %add3A_36 = arith.addi %mul3A_20, %add3A_35 : i32
      %mul3A_37 = arith.constant 80 : i32
      %mul3A_38 = arith.muli %add3A_36, %mul3A_37 : i32
      %dma_start3A_39 = tpu.memref_slice %arg7[%mul3A_38] : memref<10000xi32, #tpu.memory_space<vmem>> -> memref<80xi32, #tpu.memory_space<vmem>>
      %dma_start3A_40 = arith.constant 0 : i32
      %dma_start3A_41 = arith.constant 0 : i32
      %dma_start3A_42 = tpu.memref_slice %arg2[%dma_start3A_40, %dma_start3A_41] : memref<10000x128xf32, #tpu.memory_space<hbm>> -> memref<10000x128xf32, #tpu.memory_space<hbm>>
      tpu.enqueue_indirect_dma source(%dma_start3A_42 : memref<10000x128xf32, #tpu.memory_space<hbm>>) target(%arg9 : memref<80x128xf32, #tpu.memory_space<vmem>>) offsets(%dma_start3A_39 : memref<80xi32, #tpu.memory_space<vmem>>) semaphore(%arg12 : memref<!tpu.dma_semaphore, #tpu.memory_space<semaphore_mem>>)
      %dma_wait3A_43 = arith.constant 0 : i32
      %dma_wait3A_44 = arith.constant 0 : i32
      %dma_wait3A_45 = tpu.memref_slice %arg2[%dma_wait3A_43, %dma_wait3A_44] : memref<10000x128xf32, #tpu.memory_space<hbm>> -> memref<80x128xf32, #tpu.memory_space<hbm>>
      %dma_wait3A_46 = arith.constant 0 : i32
      %dma_wait3A_47 = arith.constant 0 : i32
      %dma_wait3A_48 = tpu.memref_slice %arg2[%dma_wait3A_46, %dma_wait3A_47] : memref<10000x128xf32, #tpu.memory_space<hbm>> -> memref<80x128xf32, #tpu.memory_space<hbm>>
      tpu.wait_dma2 semaphore(%arg13 : memref<!tpu.dma_semaphore, #tpu.memory_space<semaphore_mem>>) src(%dma_wait3A_48 : memref<80x128xf32, #tpu.memory_space<hbm>>) dst(%arg10 : memref<80x128xf32, #tpu.memory_space<vmem>>)
      %add3A_49 = arith.constant 1 : i32
      %add3A_50 = arith.addi %mul3A_20, %add3A_49 : i32
      "tpu.region"() ({
        %run_scoped3A_51 = tpu.sem_alloc : memref<!tpu.dma_semaphore, #tpu.memory_space<semaphore_mem>>
        %dma_start3A_52 = arith.constant 0 : i32
        %dma_start3A_53 = tpu.memref_slice %arg8[%add3A_50, %dma_start3A_52] : memref<125x80xi32, #tpu.memory_space<vmem>> -> memref<1x80xi32, #tpu.memory_space<vmem>>
        %dma_start3A_54 = tpu.memref_squeeze %dma_start3A_53 : memref<1x80xi32, #tpu.memory_space<vmem>> -> memref<80xi32, #tpu.memory_space<vmem>>
        %dma_start3A_55 = arith.constant 0 : i32
        %dma_start3A_56 = arith.constant 0 : i32
        %dma_start3A_57 = tpu.memref_slice %arg11[%dma_start3A_55, %dma_start3A_56] : memref<10000x128xf32, #tpu.memory_space<vmem_shared>> -> memref<10000x128xf32, #tpu.memory_space<vmem_shared>>
        tpu.enqueue_indirect_dma source(%arg10 : memref<80x128xf32, #tpu.memory_space<vmem>>) target(%dma_start3A_57 : memref<10000x128xf32, #tpu.memory_space<vmem_shared>>) offsets(%dma_start3A_54 : memref<80xi32, #tpu.memory_space<vmem>>) semaphore(%run_scoped3A_51 : memref<!tpu.dma_semaphore, #tpu.memory_space<semaphore_mem>>) {add = true}
        %dma_wait3A_58 = arith.constant 0 : i32
        %dma_wait3A_59 = tpu.memref_slice %arg8[%add3A_50, %dma_wait3A_58] : memref<125x80xi32, #tpu.memory_space<vmem>> -> memref<1x80xi32, #tpu.memory_space<vmem>>
        %dma_wait3A_60 = tpu.memref_squeeze %dma_wait3A_59 : memref<1x80xi32, #tpu.memory_space<vmem>> -> memref<80xi32, #tpu.memory_space<vmem>>
        %dma_wait3A_61 = arith.constant 0 : i32
        %dma_wait3A_62 = arith.constant 0 : i32
        %dma_wait3A_63 = tpu.memref_slice %arg11[%dma_wait3A_61, %dma_wait3A_62] : memref<10000x128xf32, #tpu.memory_space<vmem_shared>> -> memref<10000x128xf32, #tpu.memory_space<vmem_shared>>
        tpu.wait_indirect_dma semaphore(%run_scoped3A_51 : memref<!tpu.dma_semaphore, #tpu.memory_space<semaphore_mem>>) src(%arg10 : memref<80x128xf32, #tpu.memory_space<vmem>>) dst(%dma_wait3A_63 : memref<10000x128xf32, #tpu.memory_space<vmem_shared>>)
        tpu.yield
      }) : () -> ()
    }
    %scan3A_11 = arith.constant 62 : i32
    %dma_wait3A = arith.constant 0 : i32
    %dma_wait3A_12 = arith.constant 0 : i32
    %dma_wait3A_13 = tpu.memref_slice %arg2[%dma_wait3A, %dma_wait3A_12] : memref<10000x128xf32, #tpu.memory_space<hbm>> -> memref<80x128xf32, #tpu.memory_space<hbm>>
    %dma_wait3A_14 = arith.constant 0 : i32
    %dma_wait3A_15 = arith.constant 0 : i32
    %dma_wait3A_16 = tpu.memref_slice %arg2[%dma_wait3A_14, %dma_wait3A_15] : memref<10000x128xf32, #tpu.memory_space<hbm>> -> memref<80x128xf32, #tpu.memory_space<hbm>>
    tpu.wait_dma2 semaphore(%arg12 : memref<!tpu.dma_semaphore, #tpu.memory_space<semaphore_mem>>) src(%dma_wait3A_16 : memref<80x128xf32, #tpu.memory_space<hbm>>) dst(%arg9 : memref<80x128xf32, #tpu.memory_space<vmem>>)
    %run_scoped3A = arith.constant 124 : i32
    "tpu.region"() ({
      %run_scoped3A_18 = tpu.sem_alloc : memref<!tpu.dma_semaphore, #tpu.memory_space<semaphore_mem>>
      %dma_start3A_19 = arith.constant 0 : i32
      %dma_start3A_20 = tpu.memref_slice %arg8[%run_scoped3A, %dma_start3A_19] : memref<125x80xi32, #tpu.memory_space<vmem>> -> memref<1x80xi32, #tpu.memory_space<vmem>>
      %dma_start3A_21 = tpu.memref_squeeze %dma_start3A_20 : memref<1x80xi32, #tpu.memory_space<vmem>> -> memref<80xi32, #tpu.memory_space<vmem>>
      %dma_start3A_22 = arith.constant 0 : i32
      %dma_start3A_23 = arith.constant 0 : i32
      %dma_start3A_24 = tpu.memref_slice %arg11[%dma_start3A_22, %dma_start3A_23] : memref<10000x128xf32, #tpu.memory_space<vmem_shared>> -> memref<10000x128xf32, #tpu.memory_space<vmem_shared>>
      tpu.enqueue_indirect_dma source(%arg9 : memref<80x128xf32, #tpu.memory_space<vmem>>) target(%dma_start3A_24 : memref<10000x128xf32, #tpu.memory_space<vmem_shared>>) offsets(%dma_start3A_21 : memref<80xi32, #tpu.memory_space<vmem>>) semaphore(%run_scoped3A_18 : memref<!tpu.dma_semaphore, #tpu.memory_space<semaphore_mem>>) {add = true}
      %dma_wait3A_25 = arith.constant 0 : i32
      %dma_wait3A_26 = tpu.memref_slice %arg8[%run_scoped3A, %dma_wait3A_25] : memref<125x80xi32, #tpu.memory_space<vmem>> -> memref<1x80xi32, #tpu.memory_space<vmem>>
      %dma_wait3A_27 = tpu.memref_squeeze %dma_wait3A_26 : memref<1x80xi32, #tpu.memory_space<vmem>> -> memref<80xi32, #tpu.memory_space<vmem>>
      %dma_wait3A_28 = arith.constant 0 : i32
      %dma_wait3A_29 = arith.constant 0 : i32
      %dma_wait3A_30 = tpu.memref_slice %arg11[%dma_wait3A_28, %dma_wait3A_29] : memref<10000x128xf32, #tpu.memory_space<vmem_shared>> -> memref<10000x128xf32, #tpu.memory_space<vmem_shared>>
      tpu.wait_indirect_dma semaphore(%run_scoped3A_18 : memref<!tpu.dma_semaphore, #tpu.memory_space<semaphore_mem>>) src(%arg9 : memref<80x128xf32, #tpu.memory_space<vmem>>) dst(%dma_wait3A_30 : memref<10000x128xf32, #tpu.memory_space<vmem_shared>>)
      tpu.yield
    }) : () -> ()
    %barrier3A_17 = arith.constant 0 : index
    tpu.barrier barrier_id(%barrier3A_17)
    "tpu.region"() ({
      %run_scoped3A_18 = tpu.sem_alloc : memref<!tpu.dma_semaphore, #tpu.memory_space<semaphore_mem>>
      %dma_start3A_19 = arith.constant 0 : i32
      %dma_start3A_20 = tpu.memref_slice %arg6[%arg0, %mul3A_2, %dma_start3A_19] : memref<2x10000x128xf32, #tpu.memory_space<hbm>> -> memref<1x640x128xf32, #tpu.memory_space<hbm>>
      %dma_start3A_21 = tpu.memref_squeeze %dma_start3A_20 : memref<1x640x128xf32, #tpu.memory_space<hbm>> -> memref<640x128xf32, #tpu.memory_space<hbm>>
      %dma_start3A_22 = arith.constant 0 : i32
      %dma_start3A_23 = tpu.memref_slice %arg11[%mul3A_2, %dma_start3A_22] : memref<10000x128xf32, #tpu.memory_space<vmem_shared>> -> memref<640x128xf32, #tpu.memory_space<vmem_shared>>
      tpu.enqueue_dma source(%dma_start3A_23 : memref<640x128xf32, #tpu.memory_space<vmem_shared>>) target(%dma_start3A_21 : memref<640x128xf32, #tpu.memory_space<hbm>>) target_semaphore(%run_scoped3A_18 : memref<!tpu.dma_semaphore, #tpu.memory_space<semaphore_mem>>)
      %dma_wait3A_24 = arith.constant 0 : i32
      %dma_wait3A_25 = tpu.memref_slice %arg6[%arg0, %mul3A_2, %dma_wait3A_24] : memref<2x10000x128xf32, #tpu.memory_space<hbm>> -> memref<1x640x128xf32, #tpu.memory_space<hbm>>
      %dma_wait3A_26 = tpu.memref_squeeze %dma_wait3A_25 : memref<1x640x128xf32, #tpu.memory_space<hbm>> -> memref<640x128xf32, #tpu.memory_space<hbm>>
      %dma_wait3A_27 = arith.constant 0 : i32
      %dma_wait3A_28 = tpu.memref_slice %arg11[%mul3A_2, %dma_wait3A_27] : memref<10000x128xf32, #tpu.memory_space<vmem_shared>> -> memref<640x128xf32, #tpu.memory_space<vmem_shared>>
      tpu.wait_dma2 semaphore(%run_scoped3A_18 : memref<!tpu.dma_semaphore, #tpu.memory_space<semaphore_mem>>) src(%dma_wait3A_28 : memref<640x128xf32, #tpu.memory_space<vmem_shared>>) dst(%dma_wait3A_26 : memref<640x128xf32, #tpu.memory_space<hbm>>)
      tpu.yield
    }) : () -> ()
    return
  }
}

module attributes {stable_mosaic.version = 14 : i64} {
  func.func @_tc_pre_body(%arg0: i32, %arg1: memref<1000x128xf32, #tpu.memory_space<vmem>>, %arg2: memref<128x128xf32, #tpu.memory_space<vmem>>, %arg3: memref<128x128xf32, #tpu.memory_space<vmem>>, %arg4: memref<1x128xf32, #tpu.memory_space<vmem>>, %arg5: memref<1000x128xf32, #tpu.memory_space<vmem>>, %arg6: memref<1000x128xf32, #tpu.memory_space<vmem>>) attributes {dimension_semantics = [#tpu.dimension_semantics<arbitrary>], iteration_bounds = array<i64: 10>, scalar_prefetch = 0 : i64, scratch_operands = 0 : i64, tpu.core_type = #tpu.core_type<tc>, window_params = [{transform_indices = @transform_0, window_bounds = array<i64: 1000, 128>}, {pipeline_mode = #tpu.pipeline_mode<synchronous>, transform_indices = @transform_1, window_bounds = array<i64: 128, 128>}, {pipeline_mode = #tpu.pipeline_mode<synchronous>, transform_indices = @transform_2, window_bounds = array<i64: 128, 128>}, {pipeline_mode = #tpu.pipeline_mode<synchronous>, transform_indices = @transform_3, window_bounds = array<i64: 1, 128>}, {transform_indices = @transform_4, window_bounds = array<i64: 1000, 128>}, {transform_indices = @transform_5, window_bounds = array<i64: 1000, 128>}]} {
    %get3A = arith.constant 0 : index
    %get3A_0 = arith.constant 0 : index
    %get3A_1 = vector.load %arg1[%get3A, %get3A_0] : memref<1000x128xf32, #tpu.memory_space<vmem>>, vector<1000x128xf32>
    %get3A_2 = arith.constant 0 : index
    %get3A_3 = arith.constant 0 : index
    %get3A_4 = vector.load %arg2[%get3A_2, %get3A_3] : memref<128x128xf32, #tpu.memory_space<vmem>>, vector<128x128xf32>
    %dot_general3A = arith.constant dense<0.000000e+00> : vector<1000x128xf32>
    %dot_general3A_5 = tpu.matmul %get3A_1, %get3A_4, %dot_general3A {dimension_numbers = #tpu.dot_dimension_numbers<[1], [0], [0], [1], [0, 0, 1, 1], [], []>, transpose_lhs_hint = false} : vector<1000x128xf32>, vector<128x128xf32>, vector<1000x128xf32> -> vector<1000x128xf32>
    %swap3A = arith.constant 0 : index
    %swap3A_6 = arith.constant 0 : index
    %swap3A_7 = vector.load %arg5[%swap3A, %swap3A_6] : memref<1000x128xf32, #tpu.memory_space<vmem>>, vector<1000x128xf32>
    tpu.vector_store %arg5[%swap3A, %swap3A_6], %dot_general3A_5 {strides = array<i32>} : memref<1000x128xf32, #tpu.memory_space<vmem>>, vector<1000x128xf32>,
    %get3A_8 = arith.constant 0 : index
    %get3A_9 = arith.constant 0 : index
    %get3A_10 = vector.load %arg3[%get3A_8, %get3A_9] : memref<128x128xf32, #tpu.memory_space<vmem>>, vector<128x128xf32>
    %dot_general3A_11 = arith.constant dense<0.000000e+00> : vector<1000x128xf32>
    %dot_general3A_12 = tpu.matmul %get3A_1, %get3A_10, %dot_general3A_11 {dimension_numbers = #tpu.dot_dimension_numbers<[1], [0], [0], [1], [0, 0, 1, 1], [], []>, transpose_lhs_hint = false} : vector<1000x128xf32>, vector<128x128xf32>, vector<1000x128xf32> -> vector<1000x128xf32>
    %get3A_13 = arith.constant 0 : index
    %get3A_14 = arith.constant 0 : index
    %get3A_15 = vector.load %arg4[%get3A_13, %get3A_14] : memref<1x128xf32, #tpu.memory_space<vmem>>, vector<1x128xf32>
    %add3A = vector.broadcast %get3A_15 : vector<1x128xf32> to vector<1000x128xf32>
    %add3A_16 = arith.addf %dot_general3A_12, %add3A : vector<1000x128xf32>
    %swap3A_17 = arith.constant 0 : index
    %swap3A_18 = arith.constant 0 : index
    %swap3A_19 = vector.load %arg6[%swap3A_17, %swap3A_18] : memref<1000x128xf32, #tpu.memory_space<vmem>>, vector<1000x128xf32>
    tpu.vector_store %arg6[%swap3A_17, %swap3A_18], %add3A_16 {strides = array<i32>} : memref<1000x128xf32, #tpu.memory_space<vmem>>, vector<1000x128xf32>,
    return
  }
  func.func @transform_0(%arg0: i32) -> (i32, i32) {
    %c0_i32 = arith.constant 0 : i32
    %c0_i32_0 = arith.constant 0 : i32
    return %arg0, %c0_i32 : i32, i32
  }
  func.func @transform_1(%arg0: i32) -> (i32, i32) {
    %c0_i32 = arith.constant 0 : i32
    %c0_i32_0 = arith.constant 0 : i32
    %c0_i32_1 = arith.constant 0 : i32
    return %c0_i32, %c0_i32_0 : i32, i32
  }
  func.func @transform_2(%arg0: i32) -> (i32, i32) {
    %c0_i32 = arith.constant 0 : i32
    %c0_i32_0 = arith.constant 0 : i32
    %c0_i32_1 = arith.constant 0 : i32
    return %c0_i32, %c0_i32_0 : i32, i32
  }
  func.func @transform_3(%arg0: i32) -> (i32, i32) {
    %c0_i32 = arith.constant 0 : i32
    %c0_i32_0 = arith.constant 0 : i32
    %c0_i32_1 = arith.constant 0 : i32
    return %c0_i32, %c0_i32_0 : i32, i32
  }
  func.func @transform_4(%arg0: i32) -> (i32, i32) {
    %c0_i32 = arith.constant 0 : i32
    %c0_i32_0 = arith.constant 0 : i32
    return %arg0, %c0_i32 : i32, i32
  }
  func.func @transform_5(%arg0: i32) -> (i32, i32) {
    %c0_i32 = arith.constant 0 : i32
    %c0_i32_0 = arith.constant 0 : i32
    return %arg0, %c0_i32 : i32, i32
  }
}

module attributes {stable_mosaic.version = 14 : i64} {
  func.func @_tc_mid_body(%arg0: i32, %arg1: memref<1000x128xf32, #tpu.memory_space<vmem>>, %arg2: memref<2x1000x128xf32, #tpu.memory_space<vmem>>, %arg3: memref<2x1000x8xf32, #tpu.memory_space<vmem>>, %arg4: memref<128x128xf32, #tpu.memory_space<vmem>>, %arg5: memref<128x128xf32, #tpu.memory_space<vmem>>, %arg6: memref<1x128xf32, #tpu.memory_space<vmem>>, %arg7: memref<1000x128xf32, #tpu.memory_space<vmem>>, %arg8: memref<1000x128xf32, #tpu.memory_space<vmem>>) attributes {dimension_semantics = [#tpu.dimension_semantics<arbitrary>], iteration_bounds = array<i64: 10>, scalar_prefetch = 0 : i64, scratch_operands = 0 : i64, tpu.core_type = #tpu.core_type<tc>, window_params = [{transform_indices = @transform_0, window_bounds = array<i64: 1000, 128>}, {transform_indices = @transform_1, window_bounds = array<i64: 2, 1000, 128>}, {transform_indices = @transform_2, window_bounds = array<i64: 2, 1000, 8>}, {pipeline_mode = #tpu.pipeline_mode<synchronous>, transform_indices = @transform_3, window_bounds = array<i64: 128, 128>}, {pipeline_mode = #tpu.pipeline_mode<synchronous>, transform_indices = @transform_4, window_bounds = array<i64: 128, 128>}, {pipeline_mode = #tpu.pipeline_mode<synchronous>, transform_indices = @transform_5, window_bounds = array<i64: 1, 128>}, {transform_indices = @transform_6, window_bounds = array<i64: 1000, 128>}, {transform_indices = @transform_7, window_bounds = array<i64: 1000, 128>}]} {
    %get3A = arith.constant 0 : index
    %get3A_0 = arith.constant 0 : index
    %get3A_1 = arith.constant 0 : index
    %get3A_2 = vector.load %arg2[%get3A, %get3A_0, %get3A_1] : memref<2x1000x128xf32, #tpu.memory_space<vmem>>, vector<1x1000x128xf32>
    %get3A_3 = vector.shape_cast %get3A_2 : vector<1x1000x128xf32> to vector<1000x128xf32>
    %get3A_4 = arith.constant 1 : index
    %get3A_5 = arith.constant 0 : index
    %get3A_6 = arith.constant 0 : index
    %get3A_7 = vector.load %arg2[%get3A_4, %get3A_5, %get3A_6] : memref<2x1000x128xf32, #tpu.memory_space<vmem>>, vector<1x1000x128xf32>
    %get3A_8 = vector.shape_cast %get3A_7 : vector<1x1000x128xf32> to vector<1000x128xf32>
    %add3A = arith.addf %get3A_3, %get3A_8 : vector<1000x128xf32>
    %get3A_9 = arith.constant 0 : index
    %get3A_10 = arith.constant 0 : index
    %get3A_11 = arith.constant 0 : index
    %get3A_12 = vector.load %arg3[%get3A_9, %get3A_10, %get3A_11] : memref<2x1000x8xf32, #tpu.memory_space<vmem>>, vector<1x1000x8xf32>
    %get3A_13 = vector.shape_cast %get3A_12 : vector<1x1000x8xf32> to vector<1000x8xf32>
    %get3A_14 = arith.constant 1 : index
    %get3A_15 = arith.constant 0 : index
    %get3A_16 = arith.constant 0 : index
    %get3A_17 = vector.load %arg3[%get3A_14, %get3A_15, %get3A_16] : memref<2x1000x8xf32, #tpu.memory_space<vmem>>, vector<1x1000x8xf32>
    %get3A_18 = vector.shape_cast %get3A_17 : vector<1x1000x8xf32> to vector<1000x8xf32>
    %add3A_19 = arith.addf %get3A_13, %get3A_18 : vector<1000x8xf32>
    %slice3A = vector.extract_strided_slice %add3A_19 {offsets = [0, 0], sizes = [1000, 1], strides = [1, 1]} : vector<1000x8xf32> to vector<1000x1xf32>
    %max3A = arith.constant 1.000000e+00 : f32
    %max3A_20 = vector.broadcast %max3A : f32 to vector<1000x1xf32>
    %max3A_21 = arith.maximumf %slice3A, %max3A_20 : vector<1000x1xf32>
    %div3A = arith.constant 1.000000e+00 : f32
    %div3A_22 = vector.broadcast %div3A : f32 to vector<1000x1xf32>
    %div3A_23 = arith.divf %div3A_22, %max3A_21 : vector<1000x1xf32>
    %get3A_24 = arith.constant 0 : index
    %get3A_25 = arith.constant 0 : index
    %get3A_26 = vector.load %arg1[%get3A_24, %get3A_25] : memref<1000x128xf32, #tpu.memory_space<vmem>>, vector<1000x128xf32>
    %mul3A = vector.broadcast %div3A_23 : vector<1000x1xf32> to vector<1000x128xf32>
    %mul3A_27 = arith.mulf %add3A, %mul3A : vector<1000x128xf32>
    %add3A_28 = arith.addf %get3A_26, %mul3A_27 : vector<1000x128xf32>
    %max3A_29 = arith.constant 0.000000e+00 : f32
    %max3A_30 = vector.broadcast %max3A_29 : f32 to vector<1000x128xf32>
    %max3A_31 = arith.maximumf %add3A_28, %max3A_30 : vector<1000x128xf32>
    %get3A_32 = arith.constant 0 : index
    %get3A_33 = arith.constant 0 : index
    %get3A_34 = vector.load %arg4[%get3A_32, %get3A_33] : memref<128x128xf32, #tpu.memory_space<vmem>>, vector<128x128xf32>
    %dot_general3A = arith.constant dense<0.000000e+00> : vector<1000x128xf32>
    %dot_general3A_35 = tpu.matmul %max3A_31, %get3A_34, %dot_general3A {dimension_numbers = #tpu.dot_dimension_numbers<[1], [0], [0], [1], [0, 0, 1, 1], [], []>, transpose_lhs_hint = false} : vector<1000x128xf32>, vector<128x128xf32>, vector<1000x128xf32> -> vector<1000x128xf32>
    %swap3A = arith.constant 0 : index
    %swap3A_36 = arith.constant 0 : index
    %swap3A_37 = vector.load %arg7[%swap3A, %swap3A_36] : memref<1000x128xf32, #tpu.memory_space<vmem>>, vector<1000x128xf32>
    tpu.vector_store %arg7[%swap3A, %swap3A_36], %dot_general3A_35 {strides = array<i32>} : memref<1000x128xf32, #tpu.memory_space<vmem>>, vector<1000x128xf32>,
    %get3A_38 = arith.constant 0 : index
    %get3A_39 = arith.constant 0 : index
    %get3A_40 = vector.load %arg5[%get3A_38, %get3A_39] : memref<128x128xf32, #tpu.memory_space<vmem>>, vector<128x128xf32>
    %dot_general3A_41 = arith.constant dense<0.000000e+00> : vector<1000x128xf32>
    %dot_general3A_42 = tpu.matmul %max3A_31, %get3A_40, %dot_general3A_41 {dimension_numbers = #tpu.dot_dimension_numbers<[1], [0], [0], [1], [0, 0, 1, 1], [], []>, transpose_lhs_hint = false} : vector<1000x128xf32>, vector<128x128xf32>, vector<1000x128xf32> -> vector<1000x128xf32>
    %get3A_43 = arith.constant 0 : index
    %get3A_44 = arith.constant 0 : index
    %get3A_45 = vector.load %arg6[%get3A_43, %get3A_44] : memref<1x128xf32, #tpu.memory_space<vmem>>, vector<1x128xf32>
    %add3A_46 = vector.broadcast %get3A_45 : vector<1x128xf32> to vector<1000x128xf32>
    %add3A_47 = arith.addf %dot_general3A_42, %add3A_46 : vector<1000x128xf32>
    %swap3A_48 = arith.constant 0 : index
    %swap3A_49 = arith.constant 0 : index
    %swap3A_50 = vector.load %arg8[%swap3A_48, %swap3A_49] : memref<1000x128xf32, #tpu.memory_space<vmem>>, vector<1000x128xf32>
    tpu.vector_store %arg8[%swap3A_48, %swap3A_49], %add3A_47 {strides = array<i32>} : memref<1000x128xf32, #tpu.memory_space<vmem>>, vector<1000x128xf32>,
    return
  }
  func.func @transform_0(%arg0: i32) -> (i32, i32) {
    %c0_i32 = arith.constant 0 : i32
    %c0_i32_0 = arith.constant 0 : i32
    return %arg0, %c0_i32 : i32, i32
  }
  func.func @transform_1(%arg0: i32) -> (i32, i32, i32) {
    %c0_i32 = arith.constant 0 : i32
    %c0_i32_0 = arith.constant 0 : i32
    %c0_i32_1 = arith.constant 0 : i32
    return %c0_i32, %arg0, %c0_i32_0 : i32, i32, i32
  }
  func.func @transform_2(%arg0: i32) -> (i32, i32, i32) {
    %c0_i32 = arith.constant 0 : i32
    %c0_i32_0 = arith.constant 0 : i32
    %c0_i32_1 = arith.constant 0 : i32
    return %c0_i32, %arg0, %c0_i32_0 : i32, i32, i32
  }
  func.func @transform_3(%arg0: i32) -> (i32, i32) {
    %c0_i32 = arith.constant 0 : i32
    %c0_i32_0 = arith.constant 0 : i32
    %c0_i32_1 = arith.constant 0 : i32
    return %c0_i32, %c0_i32_0 : i32, i32
  }
  func.func @transform_4(%arg0: i32) -> (i32, i32) {
    %c0_i32 = arith.constant 0 : i32
    %c0_i32_0 = arith.constant 0 : i32
    %c0_i32_1 = arith.constant 0 : i32
    return %c0_i32, %c0_i32_0 : i32, i32
  }
  func.func @transform_5(%arg0: i32) -> (i32, i32) {
    %c0_i32 = arith.constant 0 : i32
    %c0_i32_0 = arith.constant 0 : i32
    %c0_i32_1 = arith.constant 0 : i32
    return %c0_i32, %c0_i32_0 : i32, i32
  }
  func.func @transform_6(%arg0: i32) -> (i32, i32) {
    %c0_i32 = arith.constant 0 : i32
    %c0_i32_0 = arith.constant 0 : i32
    return %arg0, %c0_i32 : i32, i32
  }
  func.func @transform_7(%arg0: i32) -> (i32, i32) {
    %c0_i32 = arith.constant 0 : i32
    %c0_i32_0 = arith.constant 0 : i32
    return %arg0, %c0_i32 : i32, i32
  }
}

module attributes {stable_mosaic.version = 14 : i64} {
  func.func @_tc_fin_body(%arg0: i32, %arg1: memref<1000x128xf32, #tpu.memory_space<vmem>>, %arg2: memref<2x1000x128xf32, #tpu.memory_space<vmem>>, %arg3: memref<2x1000x8xf32, #tpu.memory_space<vmem>>, %arg4: memref<1000x128xf32, #tpu.memory_space<vmem>>) attributes {dimension_semantics = [#tpu.dimension_semantics<arbitrary>], iteration_bounds = array<i64: 10>, scalar_prefetch = 0 : i64, scratch_operands = 0 : i64, tpu.core_type = #tpu.core_type<tc>, window_params = [{transform_indices = @transform_0, window_bounds = array<i64: 1000, 128>}, {transform_indices = @transform_1, window_bounds = array<i64: 2, 1000, 128>}, {transform_indices = @transform_2, window_bounds = array<i64: 2, 1000, 8>}, {transform_indices = @transform_3, window_bounds = array<i64: 1000, 128>}]} {
    %get3A = arith.constant 0 : index
    %get3A_0 = arith.constant 0 : index
    %get3A_1 = arith.constant 0 : index
    %get3A_2 = vector.load %arg2[%get3A, %get3A_0, %get3A_1] : memref<2x1000x128xf32, #tpu.memory_space<vmem>>, vector<1x1000x128xf32>
    %get3A_3 = vector.shape_cast %get3A_2 : vector<1x1000x128xf32> to vector<1000x128xf32>
    %get3A_4 = arith.constant 1 : index
    %get3A_5 = arith.constant 0 : index
    %get3A_6 = arith.constant 0 : index
    %get3A_7 = vector.load %arg2[%get3A_4, %get3A_5, %get3A_6] : memref<2x1000x128xf32, #tpu.memory_space<vmem>>, vector<1x1000x128xf32>
    %get3A_8 = vector.shape_cast %get3A_7 : vector<1x1000x128xf32> to vector<1000x128xf32>
    %add3A = arith.addf %get3A_3, %get3A_8 : vector<1000x128xf32>
    %get3A_9 = arith.constant 0 : index
    %get3A_10 = arith.constant 0 : index
    %get3A_11 = arith.constant 0 : index
    %get3A_12 = vector.load %arg3[%get3A_9, %get3A_10, %get3A_11] : memref<2x1000x8xf32, #tpu.memory_space<vmem>>, vector<1x1000x8xf32>
    %get3A_13 = vector.shape_cast %get3A_12 : vector<1x1000x8xf32> to vector<1000x8xf32>
    %get3A_14 = arith.constant 1 : index
    %get3A_15 = arith.constant 0 : index
    %get3A_16 = arith.constant 0 : index
    %get3A_17 = vector.load %arg3[%get3A_14, %get3A_15, %get3A_16] : memref<2x1000x8xf32, #tpu.memory_space<vmem>>, vector<1x1000x8xf32>
    %get3A_18 = vector.shape_cast %get3A_17 : vector<1x1000x8xf32> to vector<1000x8xf32>
    %add3A_19 = arith.addf %get3A_13, %get3A_18 : vector<1000x8xf32>
    %slice3A = vector.extract_strided_slice %add3A_19 {offsets = [0, 0], sizes = [1000, 1], strides = [1, 1]} : vector<1000x8xf32> to vector<1000x1xf32>
    %max3A = arith.constant 1.000000e+00 : f32
    %max3A_20 = vector.broadcast %max3A : f32 to vector<1000x1xf32>
    %max3A_21 = arith.maximumf %slice3A, %max3A_20 : vector<1000x1xf32>
    %div3A = arith.constant 1.000000e+00 : f32
    %div3A_22 = vector.broadcast %div3A : f32 to vector<1000x1xf32>
    %div3A_23 = arith.divf %div3A_22, %max3A_21 : vector<1000x1xf32>
    %get3A_24 = arith.constant 0 : index
    %get3A_25 = arith.constant 0 : index
    %get3A_26 = vector.load %arg1[%get3A_24, %get3A_25] : memref<1000x128xf32, #tpu.memory_space<vmem>>, vector<1000x128xf32>
    %mul3A = vector.broadcast %div3A_23 : vector<1000x1xf32> to vector<1000x128xf32>
    %mul3A_27 = arith.mulf %add3A, %mul3A : vector<1000x128xf32>
    %add3A_28 = arith.addf %get3A_26, %mul3A_27 : vector<1000x128xf32>
    %swap3A = arith.constant 0 : index
    %swap3A_29 = arith.constant 0 : index
    %swap3A_30 = vector.load %arg4[%swap3A, %swap3A_29] : memref<1000x128xf32, #tpu.memory_space<vmem>>, vector<1000x128xf32>
    tpu.vector_store %arg4[%swap3A, %swap3A_29], %add3A_28 {strides = array<i32>} : memref<1000x128xf32, #tpu.memory_space<vmem>>, vector<1000x128xf32>,
    return
  }
  func.func @transform_0(%arg0: i32) -> (i32, i32) {
    %c0_i32 = arith.constant 0 : i32
    %c0_i32_0 = arith.constant 0 : i32
    return %arg0, %c0_i32 : i32, i32
  }
  func.func @transform_1(%arg0: i32) -> (i32, i32, i32) {
    %c0_i32 = arith.constant 0 : i32
    %c0_i32_0 = arith.constant 0 : i32
    %c0_i32_1 = arith.constant 0 : i32
    return %c0_i32, %arg0, %c0_i32_0 : i32, i32, i32
  }
  func.func @transform_2(%arg0: i32) -> (i32, i32, i32) {
    %c0_i32 = arith.constant 0 : i32
    %c0_i32_0 = arith.constant 0 : i32
    %c0_i32_1 = arith.constant 0 : i32
    return %c0_i32, %arg0, %c0_i32_0 : i32, i32, i32
  }
  func.func @transform_3(%arg0: i32) -> (i32, i32) {
    %c0_i32 = arith.constant 0 : i32
    %c0_i32_0 = arith.constant 0 : i32
    return %arg0, %c0_i32 : i32, i32
  }
}

</mosaic_0001>

<sc_bundles>
// kernel: _run.10.cloned.1.call-start
scs
__scs_entry_jumppad:
0x0: {  	(pc) =	sbr.rel $0x88, $3  }
0x1: {  	(tag) =	ssettag $0x0;
	lr =	simm.s32 $0x1  }
0x2: {  	[smem:$0x3F99] =	sst lr;
	_ =	strace $0xD0000000  }
0x3: {  	_ = 	snop  }
0x4: {  	_ = 	snop  }
0x5: {  	_ = 	snop  }
0x6: {  	_ = 	snop  }
0x7: {  	_ = 	snop  }
__scs_overlays_trampoline_lowered:
0x8: {  	[smem:$0x3FA8] =	sst s0  }
0x9: {  	[smem:$0x3FA9] =	sst s1  }
0xa: {  	[smem:$0x3FAA] =	sst s2  }
0xb: {  	[smem:$0x3FAB] =	sst s3  }
0xc: {  	[smem:$0x3FAC] =	sst s4  }
0xd: {  	[smem:$0x3FAD] =	sst s5  }
0xe: {  	[smem:$0x3FAE] =	sst s6  }
0xf: {  	[smem:$0x3FAF] =	sst s7  }
0x10: {  	[smem:$0x3FB0] =	sst s8  }
0x11: {  	[smem:$0x3FB1] =	sst s9;
	s0 =	simm.s32 @!p0 $0x0  }
0x12: {  	s1 =	sld [smem:$0x3F97];
	s0 =	simm.s32 @p0 $0x1  }
0x13: {  	[smem:$0x3FB2] =	sst s0;
	s0 =	simm.s32 @!p1 $0x0  }
0x14: {  	s2 =	sld [smem:$0x3F96];
	s0 =	simm.s32 @p1 $0x1  }
0x15: {  	[smem:$0x3FB3] =	sst s0;
	s0 =	simm.s32 @!p2 $0x0  }
0x16: {  	s3 =	sld [smem:$0x3FDB];
	s0 =	simm.s32 @p2 $0x1  }
0x17: {  	s4 =	simm.s32 $0x1BF5;
	[smem:$0x3FB5] =	sst s0  }
0x18: {  	s0 =	sld [smem:$0x3F98];
	_ =	swait.ge [sflag:s4], $0x0  }
0x19: {  	s7 =	sld [smem:$0x3F99]  }
0x1a: {  	s8 =	sadd.s32 $0xFFFFE003, lr  }
0x1b: {  	s9 =	sadd.s32 $0xFFFFFEF7, lr;
	s5 =	simm.s32 $0xFFFFFFFF;
	p2 =	slt.u32 s8, $0xFFFFF086  }
0x1c: {  	p1 =	slt.u32 s9, $0xF7A;
	s5 =	simm.s32 @!p2 $0x0  }
0x1d: {  	s5 =	simm.s32 @p1 $0x1;
	p0 =	seq.s32 s7, s2  }
0x1e: {  	s7 =	smul.u32 @!p0 $0xF7A, s2;
	p2 =	seq.s32 @!p0 s5, $0x0  }
0x1f: {  	s9 =	smul.u32 $0xF7A, s1;
	s8 =	simm.s32 @!p0 $0x1BF5;
	p2 =	por !p2, p0  }
0x20: {  	[sflag:s8] =	ssyncset.s32 @!p0 $0xFFFFF086;
	s6 =	sadd.s32 @!p0 s3, s7;
	s7 =	simm.s32 @!p0 $0x108  }
0x21: {  	s3 =	sadd.s32 s3, s9;
	s6 =	sadd.s32 @!p0 $0x88, s6;
	s7 =	simm.s32 @p2 $0x1082  }
0x22: {  	[simem:s7], [sflag:s8] =	dma.local @!p0 [hbm:s6], $0xF7A  }
0x23: {  	s9 =	sor.u32 $0xD0000000, s2;
	s6 =	simm.s32 $0x108;
	_ =	swait.ge @!p0 [sflag:s8], $0x0  }
0x24: {  	s3 =	sadd.s32 $0x88, s3;
	s6 =	simm.s32 @!p1 $0x1082;
	[sflag:s4] =	ssyncset.s32 $0xFFFFF086  }
0x25: {  	[simem:s6], [sflag:s4] =	dma.local [hbm:s3], $0xF7A  }
0x26: {  	[smem:$0x3F99] =	sst s1;
	(tag) =	ssettag s2;
	_ =	strace s9  }
0x27: {  	s1 =	sld [smem:$0x3FA9]  }
0x28: {  	s2 =	sld [smem:$0x3FAA]  }
0x29: {  	s4 =	sld [smem:$0x3FAC]  }
0x2a: {  	p0 =	seq.s32 s5, $0x0;
	s5 =	sld [smem:$0x3FAD]  }
0x2b: {  	s6 =	sld [smem:$0x3FAE]  }
0x2c: {  	s7 =	sld [smem:$0x3FAF]  }
0x2d: {  	s3 =	simm.s32 $0x108;
	s8 =	sld [smem:$0x3FB0]  }
0x2e: {  	s3 =	simm.s32 @!p0 $0x1082;
	s9 =	sld [smem:$0x3FB1]  }
0x2f: {  	lr =	sadd.s32 s0, s3;
	s0 =	sld [smem:$0x3FA8]  }
0x30: {  	s3 =	sld [smem:$0x3FAB]  }
0x31: {  	[smem:$0x3FB4] =	sst s10  }
0x32: {  	s10 =	sld [smem:$0x3FB2];
	_ =	sdelay $0x3  }
0x33: {  	p0 =	seq.s32 s10, $0x1;
	s10 =	sld [smem:$0x3FB4];
	_ =	sdelay $0x3  }
0x34: {  	[smem:$0x3FB4] =	sst s10  }
0x35: {  	s10 =	sld [smem:$0x3FB3];
	_ =	sdelay $0x3  }
0x36: {  	p1 =	seq.s32 s10, $0x1;
	s10 =	sld [smem:$0x3FB4];
	_ =	sdelay $0x3  }
0x37: {  	[smem:$0x3FB4] =	sst s10  }
0x38: {  	s10 =	sld [smem:$0x3FB5]  }
0x39: {  	_ = 	snop;
	(pc) =	sbr.ind lr, $3  }
0x3a: {  	_ = 	snop  }
0x3b: {  	_ = 	snop  }
0x3c: {  	p2 =	seq.s32 s10, $0x1;
	s10 =	sld [smem:$0x3FB4]  }
0x3d: {  	_ =	shalt  }
0x3e: {  	_ =	shalt  }
0x3f: {  	_ =	shalt  }
0x40: {  	_ =	shalt  }
0x41: {  	_ =	shalt  }
0x42: {  	_ =	shalt  }
0x43: {  	_ =	shalt  }
0x44: {  	_ =	shalt  }
0x45: {  	_ =	shalt  }
0x46: {  	_ =	shalt  }
0x47: {  	_ =	shalt  }
0x48: {  	_ =	shalt  }
0x49: {  	_ =	shalt  }
0x4a: {  	_ =	shalt  }
0x4b: {  	_ =	shalt  }
0x4c: {  	_ =	shalt  }
0x4d: {  	_ =	shalt  }
0x4e: {  	_ =	shalt  }
0x4f: {  	_ =	shalt  }
0x50: {  	_ =	shalt  }
0x51: {  	_ =	shalt  }
0x52: {  	_ =	shalt  }
0x53: {  	_ =	shalt  }
0x54: {  	_ =	shalt  }
0x55: {  	_ =	shalt  }
0x56: {  	_ =	shalt  }
0x57: {  	_ =	shalt  }
0x58: {  	_ =	shalt  }
0x59: {  	_ =	shalt  }
0x5a: {  	_ =	shalt  }
0x5b: {  	_ =	shalt  }
0x5c: {  	_ =	shalt  }
0x5d: {  	_ =	shalt  }
0x5e: {  	_ =	shalt  }
0x5f: {  	_ =	shalt  }
0x60: {  	_ =	shalt  }
0x61: {  	_ =	shalt  }
0x62: {  	_ =	shalt  }
0x63: {  	_ =	shalt  }
0x64: {  	_ =	shalt  }
0x65: {  	_ =	shalt  }
0x66: {  	_ =	shalt  }
0x67: {  	_ =	shalt  }
0x68: {  	_ =	shalt  }
0x69: {  	_ =	shalt  }
0x6a: {  	_ =	shalt  }
0x6b: {  	_ =	shalt  }
0x6c: {  	_ =	shalt  }
0x6d: {  	_ =	shalt  }
0x6e: {  	_ =	shalt  }
0x6f: {  	_ =	shalt  }
0x70: {  	_ =	shalt  }
0x71: {  	_ =	shalt  }
0x72: {  	_ =	shalt  }
0x73: {  	_ =	shalt  }
0x74: {  	_ =	shalt  }
0x75: {  	_ =	shalt  }
0x76: {  	_ =	shalt  }
0x77: {  	_ =	shalt  }
0x78: {  	_ =	shalt  }
0x79: {  	_ =	shalt  }
0x7a: {  	_ =	shalt  }
0x7b: {  	_ =	shalt  }
0x7c: {  	_ =	shalt  }
0x7d: {  	_ =	shalt  }
0x7e: {  	_ =	shalt  }
0x7f: {  	_ =	shalt  }
0x80: {  	_ =	shalt  }
0x81: {  	_ =	shalt  }
0x82: {  	_ =	shalt  }
0x83: {  	_ =	shalt  }
0x84: {  	_ =	shalt  }
0x85: {  	_ =	shalt  }
0x86: {  	_ =	shalt  }
0x87: {  	_ =	shalt  }
.Lfunc_end0:
.L_simem_size_0:
called_computation.1_lowered:
.L_overlay_start_0:
0x88: {  	s2 =	sld [smem:$0x3FD9]  }
0x89: {  	s3 =	sld [smem:$0x3FFE];
	_ =	sdelay $0x1  }
0x8a: {  	s1 =	srdreg.scid  }
0x8b: {  	s0 =	sand.u32 $0x1, s1  }
0x8c: {  	s17 =	sshll.u32 s0, $0xA;
	s2 =	sadd.s32 s3, s2  }
0x8d: {  	s2 =	sadd.s32 s2, s17  }
0x8e: {  	[smem:$0x3FC0] =	sst s2  }
0x8f: {  	_ = 	snop  }
0x90: {  	s2 =	sld [smem:$0x3FD0];
	(tm) =	ssettm $0x1  }
0x91: {  	s18 =	sld [smem:$0x3FFB];
	_ =	sdelay $0x3  }
0x92: {  	_ =	strace s18  }
0x93: {  	s3 =	sld [smem:$0x3FFC];
	_ =	sdelay $0x3  }
0x94: {  	_ =	strace s3  }
0x95: {  	s3 =	sld [smem:$0x3FFD];
	_ =	sdelay $0x3  }
0x96: {  	_ =	strace s3  }
0x97: {  	_ =	strace $0x8FFFFFFF  }
0x98: {  	s19 =	sld [smem:$0x3FDB];
	_ =	sdelay $0x1  }
0x99: {  	s4 =	simm.s32 $_scs_section_size  }
0x9a: {  	s5 =	simm.s32 $_size__tile_overlayer_lowered;
	s6 =	simm.s32 $_tile_overlayer_lowered  }
0x9b: {  	s22 =	simm.s32 $0x1BFF;
	s21 =	sshll.u32 s6, $0x1;
	s3 =	sadd.s32 s4, s19  }
0x9c: {  	s7 =	simm.s32 $0x0;
	s20 =	sshll.u32 s5, $0x1;
	s5 =	sadd.s32 s21, s3  }
0x9d: {  	[timem:s7], [sflag:s22] =	dma.local [hbm:s5], s20  }
0x9e: {  	_ =	swait.ge [sflag:s22], s20  }
0x9f: {  	s4 =	ssub.s32 $0x0, s20;
	[sflag:s22] =	ssyncset.done $0x0  }
0xa0: {  	[sflag:s22] =	ssyncadd.s32 s4;
	_ =	sdelay $0x1  }
0xa1: {  	s23 =	simm.s32 $0x1B8B  }
0xa2: {  	_ =	swait.ge [sflag:s23], $0x1  }
0xa3: {  	[sflag:s23] =	ssyncset.done $0x0  }
0xa4: {  	s25 =	simm.s32 $0x1B8E;
	s24 =	sld [smem:$0x3FFE];
	[sflag:s23] =	ssyncadd.s32 $0xFFFFFFFF  }
0xa5: {  	s26 =	simm.s32 $execute0_lowered;
	[smem:$0x3FD2] =	sst s25  }
0xa6: {  	s5 =	sshll.u32 s26, $0x1;
	_ =	strace $0x80000049;
	[dreg:$0x1] =	wrdreg $0xFFFFFFFF  }
0xa7: {  	s28 =	simm.s32 $_size_execute0_lowered;
	s3 =	sadd.s32 s3, s5;
	[dreg:$0x0] =	wrdreg $0x0  }
0xa8: {  	s5 =	sshll.u32 s28, $0x1;
	[dreg:$0x2] =	wrdreg s3  }
0xa9: {  	[dreg:$0x3] =	wrdreg s5  }
0xaa: {  	[dreg:$0x4] =	wrdreg $0xC0  }
0xab: {  	_ =	task [dreg:s7], $0x5FFFF  }
0xac: {  	[dreg:$0x1] =	wrdreg $0xFFFFFFFF  }
0xad: {  	[dreg:$0x0] =	wrdreg $0x60  }
0xae: {  	[dreg:$0x2] =	wrdreg s2  }
0xaf: {  	[dreg:$0x3] =	wrdreg s24  }
0xb0: {  	[dreg:$0x4] =	wrdreg $0x9E200  }
0xb1: {  	[dreg:$0x5] =	wrdreg $0x9  }
0xb2: {  	_ =	task.clear_ibuf [dreg:s7], $0x6FFFF;
	_ =	strace $0x90000049  }
0xb3: {  	s29 =	simm.s32 $0x9;
	_ =	strace $0x8000004B  }
0xb4: {  	_ =	swait.ge [sflag:s29], $0x1  }
0xb5: {  	[sflag:s29] =	ssyncadd.s32 $0xFFFFFFFF  }
0xb6: {  	_ =	strace $0x9000004B  }
0xb7: {  	_ =	sfence  }
0xb8: {  	s30 =	sld [smem:$0x0];
	_ =	sdelay $0x2  }
0xb9: {  	s31 =	sshll.u32 s1, $0xD;
	s1 =	sshrl.u32 s1, $0x2  }
0xba: {  	s3 =	sand.u32 $0x4000, s31;
	s1 =	sadd.s32 s1, s30  }
0xbb: {  	s0 =	sor.u32 s3, s0;
	s1 =	sshll.u32 s1, $0x11  }
0xbc: {  	s0 =	sor.u32 s1, s0  }
0xbd: {  	s0 =	sadd.s32 $0x8F2B, s0  }
0xbe: {  	[sflag:s0] =	ssyncadd.remote.s32 $0x1  }
0xbf: {  	_ =	sfence.sel $0xFFFF  }
0xc0: {  	[dreg:$0x0] =	wrdreg $0xFFFFFFFF;
	(pc) =	sbr.abs _section_cstart, $3  }
0xc1: {  	[dreg:$0x1] =	wrdreg $0xFFFFFFFF  }
0xc2: {  	_ =	task.clear_ibuf [dreg:s7], $0x2FFFF;
	_ =	strace $0x9FFFFFFF  }
0xc3: {  	(tm) =	ssettm $0x7FFFFFFF  }
tec
execute0_lowered:
.L_overlay_start_1:
0x0: {  	(tag) =	ssettag $0x1  }
0x1: {  	s1 =	rddreg [dreg:$0x0]  }
0x2: {  	s6 =	rddreg [dreg:$0x1]  }
0x3: {  	s3 =	rddreg [dreg:$0x2]  }
0x4: {  	s0 =	rddreg [dreg:$0x3]  }
0x5: {  	s4 =	srdreg.scid;
	s2 =	stileid.u32;
	s14 =	simm.s32 $0x50  }
0x6: {  	s15 =	simm.s32 $0x4E20;
	s16 =	simm.s32 $0x7620;
	s17 =	simm.s32 $0x1  }
0x7: {  	s18 =	simm.s32 $0x2;
	s19 =	simm.s32 $0x4DD0;
	s20 =	simm.s32 $0x0  }
0x8: {  	s5 =	sand.u32 $0x1, s4;
	s7 =	sshll.u32 s2, $0x1;
	s8 =	smul.u32 $0x13800, s2  }
0x9: {  	s4 =	simm.s32 $0x0;
	s31 =	sshll.u32 s2, $0x6;
	s7 =	sor.u32 s5, s7  }
0xa: {  	s9 =	smul.u32 $0x138800, s5;
	[smem:$0x7FF] =	sst s4;
	s29 =	ssub.s32 $0x2, s5  }
0xb: {  	s5 =	sadd.s32 $0x15A00, s6;
	s7 =	smul.u32 $0x4E2, s7;
	_ =	strace $0x8000004A  }
0xc: {  	s30 =	sshrl.u32 s29, $0x1;
	s13 =	sadd.s32 s8, s3;
	s9 =	sadd.s32 s8, s9  }
0xd: {  	s12 =	ssub.s32 s29, s30;
	s10 =	sadd.s32 s7, s6;
	s28 =	sshrl.u32 s9, $0x3  }
0xe: {  	s11 =	sadd.s32 s28, s6;
	s6 =	sor.u32 $0x1C03, s31;
	s7 =	sadd.s32 $0xB600, s10  }
0xf: {  	s8 =	sadd.s32 $0x1800, s10;
	s10 =	smax.u32 s12, $0x1;
	s12 =	simm.s32 $0x3  }
0x10: {  	s9 =	sadd.s32 $0x18200, s11;
	s11 =	sshrl.u32 s13, $0x3;
	s13 =	simm.s32 $0x2710  }
.LBB2_1:
0x11: {  	[spmem:s11], [sflag:s6] =	dma.local [hbm:s5], $0x2800  }
0x12: {  	_ =	swait.ge [sflag:s12], $0x2800  }
0x13: {  	[sflag:s12] =	ssyncset.done $0x0  }
0x14: {  	[sflag:s12] =	ssyncadd.s32 $0xFFFFD800  }
0x15: {  	[tilespmem:s4], [sflag:$0x3] =	stream.linear.gather [hbm4b:s7+s4], $0x2710, $0x38;
	[tilespmem:$0x1D6A0] =	vst v63  }
0x16: {  	_ =	swait.ge [sflag:s12], $0x2710  }
0x17: {  	[sflag:s12] =	ssyncset.done $0x0  }
0x18: {  	[sflag:s12] =	ssyncadd.s32 $0xFFFFD8F0  }
0x19: {  	[tilespmem:s13], [sflag:$0x3] =	stream.linear.gather [hbm4b:s8+s4], $0x2710, $0x38;
	[tilespmem:$0x1D6A0] =	vst v63  }
0x1a: {  	_ =	swait.ge [sflag:s12], $0x2710  }
0x1b: {  	[sflag:s12] =	ssyncset.done $0x0  }
0x1c: {  	[sflag:s12] =	ssyncadd.s32 $0xFFFFD8F0  }
0x1d: {  	[bflag:$0x0] =	sbarrier.arrive $0xFFFF  }
0x1e: {  	[tilespmem:s15], [sflag:$0x1] =	stream.indirect.gather [hbm4b:s1+s14], $0x80, s4, s14, $0xb8;
	[tilespmem:$0x1D6A0] =	vst v63  }
0x1f: {  	s21 =	simm.s32 $0x50  }
0x20: {  	[tilespmem:s16], [sflag:$0x2] =	stream.indirect.gather [hbm4b:s1+s14], $0x80, s21, s14, $0xb8;
	[tilespmem:$0x1D6A0] =	vst v63  }
0x21: {  	_ =	swait.ge [sflag:s17], $0x2800  }
0x22: {  	[sflag:s17] =	ssyncset.done $0x0  }
0x23: {  	s29 =	simm.s32 $0x2710;
	[sflag:s17] =	ssyncadd.s32 $0xFFFFD800  }
0x24: {  	[spmem:s3] =	stream.indirect.scatter.add.f32 [tilespmem:s15], [sflag:$0x3], $0x80, s29, s14, $0xb8;
	[tilespmem:$0x1D6A0] =	vst v63  }
0x25: {  	_ =	swait.ge [sflag:s12], $0x2800  }
0x26: {  	[sflag:s12] =	ssyncset.done $0x0  }
0x27: {  	s30 =	simm.s32 $0xA0;
	[sflag:s12] =	ssyncadd.s32 $0xFFFFD800  }
0x28: {  	[tilespmem:s15], [sflag:$0x1] =	stream.indirect.gather [hbm4b:s1+s14], $0x80, s30, s14, $0xb8;
	[tilespmem:$0x1D6A0] =	vst v63  }
0x29: {  	_ =	swait.ge [sflag:s18], $0x2800  }
0x2a: {  	[sflag:s18] =	ssyncset.done $0x0  }
0x2b: {  	s31 =	simm.s32 $0x2760;
	[sflag:s18] =	ssyncadd.s32 $0xFFFFD800  }
0x2c: {  	[spmem:s3] =	stream.indirect.scatter.add.f32 [tilespmem:s16], [sflag:$0x3], $0x80, s31, s14, $0xb8;
	[tilespmem:$0x1D6A0] =	vst v63  }
0x2d: {  	_ =	swait.ge [sflag:s12], $0x2800  }
0x2e: {  	s22 =	simm.s32 $0x500;
	s21 =	simm.s32 $0xA0;
	[sflag:s12] =	ssyncset.done $0x0  }
.LBB2_2:
0x2f: {  	s23 =	sadd.s32 $0x50, s21  }
0x30: {  	[sflag:s12] =	ssyncadd.s32 $0xFFFFD800;
	s24 =	smov.u32 s22;
	s25 =	sadd.s32 $0x280, s22  }
0x31: {  	[tilespmem:s16], [sflag:$0x2] =	stream.indirect.gather [hbm4b:s1+s14], $0x80, s23, s14, $0xb8;
	[tilespmem:$0x1D6A0] =	vst v63  }
0x32: {  	p0 =	sne.s32 s22, $0x9880;
	_ =	swait.ge [sflag:s17], $0x2800  }
0x33: {  	[sflag:s17] =	ssyncset.done $0x0  }
0x34: {  	s22 =	sadd.s32 $0x2710, s21;
	[sflag:s17] =	ssyncadd.s32 $0xFFFFD800  }
0x35: {  	[spmem:s3] =	stream.indirect.scatter.add.f32 [tilespmem:s15], [sflag:$0x3], $0x80, s22, s14, $0xb8;
	[tilespmem:$0x1D6A0] =	vst v63  }
0x36: {  	_ =	swait.ge [sflag:s12], $0x2800  }
0x37: {  	[sflag:s12] =	ssyncset.done $0x0  }
0x38: {  	s22 =	sadd.s32 $0xA0, s21;
	[sflag:s12] =	ssyncadd.s32 $0xFFFFD800  }
0x39: {  	[tilespmem:s15], [sflag:$0x1] =	stream.indirect.gather [hbm4b:s1+s14], $0x80, s22, s14, $0xb8;
	[tilespmem:$0x1D6A0] =	vst v63  }
0x3a: {  	_ =	swait.ge [sflag:s18], $0x2800  }
.Ltmp0:
0x3b: {  	[sflag:s18] =	ssyncset.done $0x0;
	(pc) =	sbr.rel @p0 .LBB2_2-.Ltmp0, $4  }
0x3c: {  	s21 =	sadd.s32 $0x2760, s21;
	[sflag:s18] =	ssyncadd.s32 $0xFFFFD800  }
0x3d: {  	[spmem:s3] =	stream.indirect.scatter.add.f32 [tilespmem:s16], [sflag:$0x3], $0x80, s21, s14, $0xb8;
	[tilespmem:$0x1D6A0] =	vst v63  }
0x3e: {  	_ =	swait.ge [sflag:s12], $0x2800  }
0x3f: {  	s22 =	smov.u32 s25;
	s21 =	sshra.s32 s24, $0x2;
	[sflag:s12] =	ssyncset.done $0x0  }
0x40: {  	s22 =	sadd.s32 $0x50, s21;
	[sflag:s12] =	ssyncadd.s32 $0xFFFFD800  }
0x41: {  	[tilespmem:s16], [sflag:$0x2] =	stream.indirect.gather [hbm4b:s1+s14], $0x80, s22, s14, $0xb8;
	[tilespmem:$0x1D6A0] =	vst v63  }
0x42: {  	_ =	swait.ge [sflag:s17], $0x2800  }
0x43: {  	[sflag:s17] =	ssyncset.done $0x0  }
0x44: {  	s29 =	sadd.s32 $0x2710, s21;
	[sflag:s17] =	ssyncadd.s32 $0xFFFFD800  }
0x45: {  	[spmem:s3] =	stream.indirect.scatter.add.f32 [tilespmem:s15], [sflag:$0x3], $0x80, s29, s14, $0xb8;
	[tilespmem:$0x1D6A0] =	vst v63  }
0x46: {  	_ =	swait.ge [sflag:s12], $0x2800  }
0x47: {  	[sflag:s12] =	ssyncset.done $0x0  }
0x48: {  	s30 =	sadd.s32 $0xA0, s21;
	[sflag:s12] =	ssyncadd.s32 $0xFFFFD800  }
0x49: {  	[tilespmem:s15], [sflag:$0x1] =	stream.indirect.gather [hbm4b:s1+s14], $0x80, s30, s14, $0xb8;
	[tilespmem:$0x1D6A0] =	vst v63  }
0x4a: {  	_ =	swait.ge [sflag:s18], $0x2800  }
0x4b: {  	[sflag:s18] =	ssyncset.done $0x0  }
0x4c: {  	s31 =	sadd.s32 $0x2760, s21;
	[sflag:s18] =	ssyncadd.s32 $0xFFFFD800  }
0x4d: {  	[spmem:s3] =	stream.indirect.scatter.add.f32 [tilespmem:s16], [sflag:$0x3], $0x80, s31, s14, $0xb8;
	[tilespmem:$0x1D6A0] =	vst v63  }
0x4e: {  	_ =	swait.ge [sflag:s12], $0x2800  }
0x4f: {  	[sflag:s12] =	ssyncset.done $0x0  }
0x50: {  	[sflag:s12] =	ssyncadd.s32 $0xFFFFD800  }
0x51: {  	_ =	swait.ge [sflag:s17], $0x2800  }
0x52: {  	[sflag:s17] =	ssyncset.done $0x0  }
0x53: {  	[sflag:s17] =	ssyncadd.s32 $0xFFFFD800  }
0x54: {  	[spmem:s3] =	stream.indirect.scatter.add.f32 [tilespmem:s15], [sflag:$0x3], $0x80, s19, s14, $0xb8;
	[tilespmem:$0x1D6A0] =	vst v63  }
0x55: {  	_ =	swait.ge [sflag:s12], $0x2800  }
0x56: {  	s20 =	sadd.s32 $0x1, s20;
	[sflag:s12] =	ssyncset.done $0x0  }
0x57: {  	p0 =	sne.s32 s20, s10;
	[sflag:s12] =	ssyncadd.s32 $0xFFFFD800  }
.Ltmp1:
0x58: {  	[bflag:$0x0] =	sbarrier.arrive $0xFFFF;
	(pc) =	sbr.rel @p0 .LBB2_1-.Ltmp1, $4  }
0x59: {  	[hbm:s9], [sflag:s6] =	dma.local [spmem:s11], $0x2800  }
0x5a: {  	_ =	swait.ge [sflag:s12], $0x2800  }
0x5b: {  	[sflag:s12] =	ssyncset.done $0x0  }
0x5c: {  	[sflag:s12] =	ssyncadd.s32 $0xFFFFD800  }
0x5d: {  	_ =	sfence.sel $0x180000  }
0x5e: {  	[bflag:$0x0] =	sbarrier.arrive $0xFFFF  }
0x5f: {  	p0 =	sne.s32 s2, $0x0;
	_ =	strace $0x9000004A  }
0x60: {  	s0 =	sadd.s32 @!p0 $0x100000, s0;
	[bflag:$0x2] =	sbarrier.arrive $0xFFFF  }
0x61: {  	[sflag:s0] =	ssyncadd.tile.s32 @!p0 $0x1;
	_ =	shalt  }
.Lfunc_end2:
_tile_overlayer_lowered:
.L_overlay_start_2:
0x62: {  	(tag) =	ssettag $0x2  }
0x63: {  	s0 =	rddreg [dreg:$0x0];
	s2 =	stileid.u32  }
0x64: {  	s1 =	rddreg [dreg:$0x1];
	p0 =	sne.s32 s2, $0x0  }
0x65: {  	s3 =	rddreg [dreg:$0x2];
	[bflag:$0x3] =	sbarrier.arrive $0xFFFF;
	s2 =	simm.s32 @!p0 $0x1C03  }
0x66: {  	[timem:s3], [sflag:s2] =	dma.local @!p0 [hbm:s0], s1  }
0x67: {  	s0 =	simm.s32 @!p0 $0x3  }
0x68: {  	_ =	swait.ge @!p0 [sflag:s0], s1  }
0x69: {  	s1 =	ssub.s32 @!p0 $0x0, s1;
	[sflag:s0] =	ssyncset.done @!p0 $0x0  }
0x6a: {  	[sflag:s0] =	ssyncadd.s32 @!p0 s1  }
0x6b: {  	[bflag:$0x3] =	sbarrier.arrive $0xFFFF  }
0x6c: {  	_ =	shalt  }

// kernel: _run.7.cloned.1.call-start
scs
__scs_entry_jumppad:
0x0: {  	(pc) =	sbr.rel $0x88, $3  }
0x1: {  	(tag) =	ssettag $0x0;
	lr =	simm.s32 $0x1  }
0x2: {  	[smem:$0x3F99] =	sst lr;
	_ =	strace $0xD0000000  }
0x3: {  	_ = 	snop  }
0x4: {  	_ = 	snop  }
0x5: {  	_ = 	snop  }
0x6: {  	_ = 	snop  }
0x7: {  	_ = 	snop  }
__scs_overlays_trampoline_lowered:
0x8: {  	[smem:$0x3FA8] =	sst s0  }
0x9: {  	[smem:$0x3FA9] =	sst s1  }
0xa: {  	[smem:$0x3FAA] =	sst s2  }
0xb: {  	[smem:$0x3FAB] =	sst s3  }
0xc: {  	[smem:$0x3FAC] =	sst s4  }
0xd: {  	[smem:$0x3FAD] =	sst s5  }
0xe: {  	[smem:$0x3FAE] =	sst s6  }
0xf: {  	[smem:$0x3FAF] =	sst s7  }
0x10: {  	[smem:$0x3FB0] =	sst s8  }
0x11: {  	[smem:$0x3FB1] =	sst s9;
	s0 =	simm.s32 @!p0 $0x0  }
0x12: {  	s1 =	sld [smem:$0x3F97];
	s0 =	simm.s32 @p0 $0x1  }
0x13: {  	[smem:$0x3FB2] =	sst s0;
	s0 =	simm.s32 @!p1 $0x0  }
0x14: {  	s2 =	sld [smem:$0x3F96];
	s0 =	simm.s32 @p1 $0x1  }
0x15: {  	[smem:$0x3FB3] =	sst s0;
	s0 =	simm.s32 @!p2 $0x0  }
0x16: {  	s3 =	sld [smem:$0x3FDB];
	s0 =	simm.s32 @p2 $0x1  }
0x17: {  	s4 =	simm.s32 $0x1BF5;
	[smem:$0x3FB5] =	sst s0  }
0x18: {  	s0 =	sld [smem:$0x3F98];
	_ =	swait.ge [sflag:s4], $0x0  }
0x19: {  	s7 =	sld [smem:$0x3F99]  }
0x1a: {  	s8 =	sadd.s32 $0xFFFFE003, lr  }
0x1b: {  	s9 =	sadd.s32 $0xFFFFFEF7, lr;
	s5 =	simm.s32 $0xFFFFFFFF;
	p2 =	slt.u32 s8, $0xFFFFF086  }
0x1c: {  	p1 =	slt.u32 s9, $0xF7A;
	s5 =	simm.s32 @!p2 $0x0  }
0x1d: {  	s5 =	simm.s32 @p1 $0x1;
	p0 =	seq.s32 s7, s2  }
0x1e: {  	s7 =	smul.u32 @!p0 $0xF7A, s2;
	p2 =	seq.s32 @!p0 s5, $0x0  }
0x1f: {  	s9 =	smul.u32 $0xF7A, s1;
	s8 =	simm.s32 @!p0 $0x1BF5;
	p2 =	por !p2, p0  }
0x20: {  	[sflag:s8] =	ssyncset.s32 @!p0 $0xFFFFF086;
	s6 =	sadd.s32 @!p0 s3, s7;
	s7 =	simm.s32 @!p0 $0x108  }
0x21: {  	s3 =	sadd.s32 s3, s9;
	s6 =	sadd.s32 @!p0 $0x88, s6;
	s7 =	simm.s32 @p2 $0x1082  }
0x22: {  	[simem:s7], [sflag:s8] =	dma.local @!p0 [hbm:s6], $0xF7A  }
0x23: {  	s9 =	sor.u32 $0xD0000000, s2;
	s6 =	simm.s32 $0x108;
	_ =	swait.ge @!p0 [sflag:s8], $0x0  }
0x24: {  	s3 =	sadd.s32 $0x88, s3;
	s6 =	simm.s32 @!p1 $0x1082;
	[sflag:s4] =	ssyncset.s32 $0xFFFFF086  }
0x25: {  	[simem:s6], [sflag:s4] =	dma.local [hbm:s3], $0xF7A  }
0x26: {  	[smem:$0x3F99] =	sst s1;
	(tag) =	ssettag s2;
	_ =	strace s9  }
0x27: {  	s1 =	sld [smem:$0x3FA9]  }
0x28: {  	s2 =	sld [smem:$0x3FAA]  }
0x29: {  	s4 =	sld [smem:$0x3FAC]  }
0x2a: {  	p0 =	seq.s32 s5, $0x0;
	s5 =	sld [smem:$0x3FAD]  }
0x2b: {  	s6 =	sld [smem:$0x3FAE]  }
0x2c: {  	s7 =	sld [smem:$0x3FAF]  }
0x2d: {  	s3 =	simm.s32 $0x108;
	s8 =	sld [smem:$0x3FB0]  }
0x2e: {  	s3 =	simm.s32 @!p0 $0x1082;
	s9 =	sld [smem:$0x3FB1]  }
0x2f: {  	lr =	sadd.s32 s0, s3;
	s0 =	sld [smem:$0x3FA8]  }
0x30: {  	s3 =	sld [smem:$0x3FAB]  }
0x31: {  	[smem:$0x3FB4] =	sst s10  }
0x32: {  	s10 =	sld [smem:$0x3FB2];
	_ =	sdelay $0x3  }
0x33: {  	p0 =	seq.s32 s10, $0x1;
	s10 =	sld [smem:$0x3FB4];
	_ =	sdelay $0x3  }
0x34: {  	[smem:$0x3FB4] =	sst s10  }
0x35: {  	s10 =	sld [smem:$0x3FB3];
	_ =	sdelay $0x3  }
0x36: {  	p1 =	seq.s32 s10, $0x1;
	s10 =	sld [smem:$0x3FB4];
	_ =	sdelay $0x3  }
0x37: {  	[smem:$0x3FB4] =	sst s10  }
0x38: {  	s10 =	sld [smem:$0x3FB5]  }
0x39: {  	_ = 	snop;
	(pc) =	sbr.ind lr, $3  }
0x3a: {  	_ = 	snop  }
0x3b: {  	_ = 	snop  }
0x3c: {  	p2 =	seq.s32 s10, $0x1;
	s10 =	sld [smem:$0x3FB4]  }
0x3d: {  	_ =	shalt  }
0x3e: {  	_ =	shalt  }
0x3f: {  	_ =	shalt  }
0x40: {  	_ =	shalt  }
0x41: {  	_ =	shalt  }
0x42: {  	_ =	shalt  }
0x43: {  	_ =	shalt  }
0x44: {  	_ =	shalt  }
0x45: {  	_ =	shalt  }
0x46: {  	_ =	shalt  }
0x47: {  	_ =	shalt  }
0x48: {  	_ =	shalt  }
0x49: {  	_ =	shalt  }
0x4a: {  	_ =	shalt  }
0x4b: {  	_ =	shalt  }
0x4c: {  	_ =	shalt  }
0x4d: {  	_ =	shalt  }
0x4e: {  	_ =	shalt  }
0x4f: {  	_ =	shalt  }
0x50: {  	_ =	shalt  }
0x51: {  	_ =	shalt  }
0x52: {  	_ =	shalt  }
0x53: {  	_ =	shalt  }
0x54: {  	_ =	shalt  }
0x55: {  	_ =	shalt  }
0x56: {  	_ =	shalt  }
0x57: {  	_ =	shalt  }
0x58: {  	_ =	shalt  }
0x59: {  	_ =	shalt  }
0x5a: {  	_ =	shalt  }
0x5b: {  	_ =	shalt  }
0x5c: {  	_ =	shalt  }
0x5d: {  	_ =	shalt  }
0x5e: {  	_ =	shalt  }
0x5f: {  	_ =	shalt  }
0x60: {  	_ =	shalt  }
0x61: {  	_ =	shalt  }
0x62: {  	_ =	shalt  }
0x63: {  	_ =	shalt  }
0x64: {  	_ =	shalt  }
0x65: {  	_ =	shalt  }
0x66: {  	_ =	shalt  }
0x67: {  	_ =	shalt  }
0x68: {  	_ =	shalt  }
0x69: {  	_ =	shalt  }
0x6a: {  	_ =	shalt  }
0x6b: {  	_ =	shalt  }
0x6c: {  	_ =	shalt  }
0x6d: {  	_ =	shalt  }
0x6e: {  	_ =	shalt  }
0x6f: {  	_ =	shalt  }
0x70: {  	_ =	shalt  }
0x71: {  	_ =	shalt  }
0x72: {  	_ =	shalt  }
0x73: {  	_ =	shalt  }
0x74: {  	_ =	shalt  }
0x75: {  	_ =	shalt  }
0x76: {  	_ =	shalt  }
0x77: {  	_ =	shalt  }
0x78: {  	_ =	shalt  }
0x79: {  	_ =	shalt  }
0x7a: {  	_ =	shalt  }
0x7b: {  	_ =	shalt  }
0x7c: {  	_ =	shalt  }
0x7d: {  	_ =	shalt  }
0x7e: {  	_ =	shalt  }
0x7f: {  	_ =	shalt  }
0x80: {  	_ =	shalt  }
0x81: {  	_ =	shalt  }
0x82: {  	_ =	shalt  }
0x83: {  	_ =	shalt  }
0x84: {  	_ =	shalt  }
0x85: {  	_ =	shalt  }
0x86: {  	_ =	shalt  }
0x87: {  	_ =	shalt  }
.Lfunc_end0:
.L_simem_size_0:
called_computation_lowered:
.L_overlay_start_0:
0x88: {  	s2 =	sld [smem:$0x3FD9]  }
0x89: {  	s3 =	sld [smem:$0x3FFE];
	_ =	sdelay $0x1  }
0x8a: {  	s1 =	srdreg.scid  }
0x8b: {  	s0 =	sand.u32 $0x1, s1  }
0x8c: {  	s17 =	sshll.u32 s0, $0xA;
	s2 =	sadd.s32 s3, s2  }
0x8d: {  	s2 =	sadd.s32 s2, s17  }
0x8e: {  	[smem:$0x3FC0] =	sst s2  }
0x8f: {  	_ = 	snop  }
0x90: {  	s2 =	sld [smem:$0x3FD0];
	(tm) =	ssettm $0x1  }
0x91: {  	s18 =	sld [smem:$0x3FFB];
	_ =	sdelay $0x3  }
0x92: {  	_ =	strace s18  }
0x93: {  	s3 =	sld [smem:$0x3FFC];
	_ =	sdelay $0x3  }
0x94: {  	_ =	strace s3  }
0x95: {  	s3 =	sld [smem:$0x3FFD];
	_ =	sdelay $0x3  }
0x96: {  	_ =	strace s3  }
0x97: {  	_ =	strace $0x8FFFFFFF  }
0x98: {  	s19 =	sld [smem:$0x3FDB];
	_ =	sdelay $0x1  }
0x99: {  	s4 =	simm.s32 $_scs_section_size  }
0x9a: {  	s5 =	simm.s32 $_size__tile_overlayer_lowered;
	s6 =	simm.s32 $_tile_overlayer_lowered  }
0x9b: {  	s22 =	simm.s32 $0x1BFF;
	s21 =	sshll.u32 s6, $0x1;
	s3 =	sadd.s32 s4, s19  }
0x9c: {  	s7 =	simm.s32 $0x0;
	s20 =	sshll.u32 s5, $0x1;
	s5 =	sadd.s32 s21, s3  }
0x9d: {  	[timem:s7], [sflag:s22] =	dma.local [hbm:s5], s20  }
0x9e: {  	_ =	swait.ge [sflag:s22], s20  }
0x9f: {  	s4 =	ssub.s32 $0x0, s20;
	[sflag:s22] =	ssyncset.done $0x0  }
0xa0: {  	[sflag:s22] =	ssyncadd.s32 s4;
	_ =	sdelay $0x1  }
0xa1: {  	s23 =	simm.s32 $0x1B8B  }
0xa2: {  	_ =	swait.ge [sflag:s23], $0x1  }
0xa3: {  	[sflag:s23] =	ssyncset.done $0x0  }
0xa4: {  	s25 =	simm.s32 $0x1B8E;
	s24 =	sld [smem:$0x3FFE];
	[sflag:s23] =	ssyncadd.s32 $0xFFFFFFFF  }
0xa5: {  	s26 =	simm.s32 $execute0_lowered;
	[smem:$0x3FD2] =	sst s25  }
0xa6: {  	s5 =	sshll.u32 s26, $0x1;
	_ =	strace $0x80000046;
	[dreg:$0x1] =	wrdreg $0xFFFFFFFF  }
0xa7: {  	s28 =	simm.s32 $_size_execute0_lowered;
	s3 =	sadd.s32 s3, s5;
	[dreg:$0x0] =	wrdreg $0x0  }
0xa8: {  	s5 =	sshll.u32 s28, $0x1;
	[dreg:$0x2] =	wrdreg s3  }
0xa9: {  	[dreg:$0x3] =	wrdreg s5  }
0xaa: {  	[dreg:$0x4] =	wrdreg $0xC0  }
0xab: {  	_ =	task [dreg:s7], $0x5FFFF  }
0xac: {  	[dreg:$0x1] =	wrdreg $0xFFFFFFFF  }
0xad: {  	[dreg:$0x0] =	wrdreg $0x60  }
0xae: {  	[dreg:$0x2] =	wrdreg s2  }
0xaf: {  	[dreg:$0x3] =	wrdreg s24  }
0xb0: {  	[dreg:$0x4] =	wrdreg $0x9E200  }
0xb1: {  	[dreg:$0x5] =	wrdreg $0x1D9200  }
0xb2: {  	[dreg:$0x6] =	wrdreg $0x9  }
0xb3: {  	_ =	task.clear_ibuf [dreg:s7], $0x7FFFF;
	_ =	strace $0x90000046  }
0xb4: {  	s29 =	simm.s32 $0x9;
	_ =	strace $0x80000048  }
0xb5: {  	_ =	swait.ge [sflag:s29], $0x1  }
0xb6: {  	[sflag:s29] =	ssyncadd.s32 $0xFFFFFFFF  }
0xb7: {  	_ =	strace $0x90000048  }
0xb8: {  	_ =	sfence  }
0xb9: {  	s30 =	sld [smem:$0x0];
	_ =	sdelay $0x2  }
0xba: {  	s31 =	sshll.u32 s1, $0xD;
	s1 =	sshrl.u32 s1, $0x2  }
0xbb: {  	s3 =	sand.u32 $0x4000, s31;
	s1 =	sadd.s32 s1, s30  }
0xbc: {  	s0 =	sor.u32 s3, s0;
	s1 =	sshll.u32 s1, $0x11  }
0xbd: {  	s0 =	sor.u32 s1, s0  }
0xbe: {  	s0 =	sadd.s32 $0x8F2B, s0  }
0xbf: {  	[sflag:s0] =	ssyncadd.remote.s32 $0x1  }
0xc0: {  	_ =	sfence.sel $0xFFFF  }
0xc1: {  	[dreg:$0x0] =	wrdreg $0xFFFFFFFF;
	(pc) =	sbr.abs _section_cstart, $3  }
0xc2: {  	[dreg:$0x1] =	wrdreg $0xFFFFFFFF  }
0xc3: {  	_ =	task.clear_ibuf [dreg:s7], $0x2FFFF;
	_ =	strace $0x9FFFFFFF  }
0xc4: {  	(tm) =	ssettm $0x7FFFFFFF  }
0xc5: {  	_ =	shalt  }
tec
execute0_lowered:
.L_overlay_start_1:
0x0: {  	(tag) =	ssettag $0x1  }
0x1: {  	s1 =	rddreg [dreg:$0x0]  }
0x2: {  	s10 =	rddreg [dreg:$0x1]  }
0x3: {  	s2 =	srdreg.scid;
	s3 =	rddreg [dreg:$0x2]  }
0x4: {  	s0 =	stileid.u32;
	s4 =	rddreg [dreg:$0x3]  }
0x5: {  	s5 =	simm.s32 $0x0;
	s20 =	simm.s32 $0x50;
	s21 =	simm.s32 $0x4E20  }
0x6: {  	s22 =	simm.s32 $0x7620;
	s23 =	simm.s32 $0x1;
	s24 =	simm.s32 $0x2  }
0x7: {  	s25 =	simm.s32 $0x4DD0;
	s26 =	simm.s32 $0x0;
	s11 =	smul.u32 $0x13800, s0  }
0x8: {  	s9 =	sand.u32 $0x1, s2;
	s30 =	sshll.u32 s0, $0x1;
	s12 =	smul.u32 $0x1380, s0  }
0x9: {  	[smem:$0x7FF] =	sst s5;
	s7 =	sadd.s32 $0x15600, s10;
	s8 =	smul.u32 $0x138800, s9  }
0xa: {  	s16 =	sshll.u32 s0, $0x6;
	s2 =	sor.u32 s9, s30;
	s14 =	smul.u32 $0x13880, s9  }
0xb: {  	_ =	strace $0x80000047;
	s9 =	ssub.s32 $0x2, s9;
	s6 =	smul.u32 $0x4E2, s2  }
0xc: {  	s31 =	sshrl.u32 s9, $0x1;
	s18 =	sadd.s32 s11, s3;
	s19 =	sadd.s32 s12, s4  }
0xd: {  	s15 =	sadd.s32 s11, s8;
	s8 =	sadd.s32 $0x15400, s10;
	s14 =	sadd.s32 s12, s14  }
0xe: {  	s17 =	ssub.s32 s9, s31;
	s9 =	sor.u32 $0x1C03, s16;
	s16 =	simm.s32 $0x3  }
0xf: {  	s13 =	sadd.s32 s6, s10;
	s15 =	sshrl.u32 s15, $0x3;
	s14 =	sshrl.u32 s14, $0x3  }
0x10: {  	s6 =	sadd.s32 $0x15A00, s10;
	s15 =	sadd.s32 s15, s10;
	s14 =	sadd.s32 s14, s10  }
0x11: {  	s10 =	sadd.s32 $0xB600, s13;
	s11 =	sadd.s32 $0x1800, s13;
	s12 =	sadd.s32 $0x1D200, s15  }
0x12: {  	s13 =	sadd.s32 $0x18200, s14;
	s14 =	smax.u32 s17, $0x1;
	s15 =	sshrl.u32 s18, $0x3  }
0x13: {  	s17 =	simm.s32 $0x1D6A0;
	s18 =	sshrl.u32 s19, $0x3;
	s19 =	simm.s32 $0x2710  }
.LBB2_1:
0x14: {  	[spmem:s15], [sflag:s9] =	dma.local [hbm:s6], $0x2800  }
0x15: {  	_ =	swait.ge [sflag:s16], $0x2800  }
0x16: {  	[sflag:s16] =	ssyncset.done $0x0  }
0x17: {  	[sflag:s16] =	ssyncadd.s32 $0xFFFFD800  }
0x18: {  	[tilespmem:s17], [sflag:$0x3] =	stream.linear.gather [hbm4b:s8+s5], $0x280, $0x38;
	[tilespmem:$0x1ECA8] =	vst v63  }
0x19: {  	_ =	swait.ge [sflag:s16], $0x280  }
0x1a: {  	[sflag:s16] =	ssyncset.done $0x0  }
0x1b: {  	[sflag:s16] =	ssyncadd.s32 $0xFFFFFD80  }
0x1c: {  	[spmem:s18], [sflag:s9] =	dma.local [hbm:s7], $0x280  }
0x1d: {  	_ =	swait.ge [sflag:s16], $0x280  }
0x1e: {  	[sflag:s16] =	ssyncset.done $0x0  }
0x1f: {  	[sflag:s16] =	ssyncadd.s32 $0xFFFFFD80  }
0x20: {  	[tilespmem:s5], [sflag:$0x3] =	stream.linear.gather [hbm4b:s10+s5], $0x2710, $0x38;
	[tilespmem:$0x1ECA8] =	vst v63  }
0x21: {  	_ =	swait.ge [sflag:s16], $0x2710  }
0x22: {  	[sflag:s16] =	ssyncset.done $0x0  }
0x23: {  	[sflag:s16] =	ssyncadd.s32 $0xFFFFD8F0  }
0x24: {  	[tilespmem:s19], [sflag:$0x3] =	stream.linear.gather [hbm4b:s11+s5], $0x2710, $0x38;
	[tilespmem:$0x1ECA8] =	vst v63  }
0x25: {  	_ =	swait.ge [sflag:s16], $0x2710  }
0x26: {  	[sflag:s16] =	ssyncset.done $0x0  }
0x27: {  	[sflag:s16] =	ssyncadd.s32 $0xFFFFD8F0  }
0x28: {  	[bflag:$0x0] =	sbarrier.arrive $0xFFFF  }
0x29: {  	[tilespmem:s21], [sflag:$0x1] =	stream.indirect.gather [hbm4b:s1+s20], $0x80, s5, s20, $0xb8;
	[tilespmem:$0x1ECA8] =	vst v63  }
0x2a: {  	s28 =	simm.s32 $0x50  }
0x2b: {  	[tilespmem:s22], [sflag:$0x2] =	stream.indirect.gather [hbm4b:s1+s20], $0x80, s28, s20, $0xb8;
	[tilespmem:$0x1ECA8] =	vst v63  }
0x2c: {  	_ =	swait.ge [sflag:s23], $0x2800  }
0x2d: {  	[sflag:s23] =	ssyncset.done $0x0  }
0x2e: {  	s28 =	simm.s32 $0x2710;
	[sflag:s23] =	ssyncadd.s32 $0xFFFFD800  }
0x2f: {  	[spmem:s3] =	stream.indirect.scatter.add.f32 [tilespmem:s21], [sflag:$0x3], $0x80, s28, s20, $0xb8;
	[tilespmem:$0x1ECA8] =	vst v63  }
0x30: {  	_ =	swait.ge [sflag:s16], $0x2800  }
0x31: {  	[sflag:s16] =	ssyncset.done $0x0  }
0x32: {  	[sflag:s16] =	ssyncadd.s32 $0xFFFFD800  }
0x33: {  	[spmem:s4] =	stream.indirect.scatter.add.f32 [tilespmem:s17], [sflag:$0x3], $0x8, s28, s20, $0xb8;
	[tilespmem:$0x1ECA8] =	vst v63  }
0x34: {  	_ =	swait.ge [sflag:s16], $0x280  }
0x35: {  	[sflag:s16] =	ssyncset.done $0x0  }
0x36: {  	s28 =	simm.s32 $0xA0;
	[sflag:s16] =	ssyncadd.s32 $0xFFFFFD80  }
0x37: {  	[tilespmem:s21], [sflag:$0x1] =	stream.indirect.gather [hbm4b:s1+s20], $0x80, s28, s20, $0xb8;
	[tilespmem:$0x1ECA8] =	vst v63  }
0x38: {  	_ =	swait.ge [sflag:s24], $0x2800  }
0x39: {  	[sflag:s24] =	ssyncset.done $0x0  }
0x3a: {  	s28 =	simm.s32 $0x2760;
	[sflag:s24] =	ssyncadd.s32 $0xFFFFD800  }
0x3b: {  	[spmem:s3] =	stream.indirect.scatter.add.f32 [tilespmem:s22], [sflag:$0x3], $0x80, s28, s20, $0xb8;
	[tilespmem:$0x1ECA8] =	vst v63  }
0x3c: {  	_ =	swait.ge [sflag:s16], $0x2800  }
0x3d: {  	[sflag:s16] =	ssyncset.done $0x0  }
0x3e: {  	[sflag:s16] =	ssyncadd.s32 $0xFFFFD800  }
0x3f: {  	[spmem:s4] =	stream.indirect.scatter.add.f32 [tilespmem:s17], [sflag:$0x3], $0x8, s28, s20, $0xb8;
	[tilespmem:$0x1ECA8] =	vst v63  }
0x40: {  	_ =	swait.ge [sflag:s16], $0x280  }
0x41: {  	s29 =	simm.s32 $0x500;
	s28 =	simm.s32 $0xA0;
	[sflag:s16] =	ssyncset.done $0x0  }
.LBB2_2:
0x42: {  	s30 =	sadd.s32 $0x50, s28  }
0x43: {  	[sflag:s16] =	ssyncadd.s32 $0xFFFFFD80;
	s31 =	smov.u32 s29;
	s2 =	sadd.s32 $0x280, s29  }
0x44: {  	[tilespmem:s22], [sflag:$0x2] =	stream.indirect.gather [hbm4b:s1+s20], $0x80, s30, s20, $0xb8;
	[tilespmem:$0x1ECA8] =	vst v63  }
0x45: {  	p0 =	sne.s32 s29, $0x9880;
	_ =	swait.ge [sflag:s23], $0x2800  }
0x46: {  	[sflag:s23] =	ssyncset.done $0x0  }
0x47: {  	s29 =	sadd.s32 $0x2710, s28;
	[sflag:s23] =	ssyncadd.s32 $0xFFFFD800  }
0x48: {  	[spmem:s3] =	stream.indirect.scatter.add.f32 [tilespmem:s21], [sflag:$0x3], $0x80, s29, s20, $0xb8;
	[tilespmem:$0x1ECA8] =	vst v63  }
0x49: {  	_ =	swait.ge [sflag:s16], $0x2800  }
0x4a: {  	[sflag:s16] =	ssyncset.done $0x0  }
0x4b: {  	[sflag:s16] =	ssyncadd.s32 $0xFFFFD800  }
0x4c: {  	[spmem:s4] =	stream.indirect.scatter.add.f32 [tilespmem:s17], [sflag:$0x3], $0x8, s29, s20, $0xb8;
	[tilespmem:$0x1ECA8] =	vst v63  }
0x4d: {  	_ =	swait.ge [sflag:s16], $0x280  }
0x4e: {  	[sflag:s16] =	ssyncset.done $0x0  }
0x4f: {  	s29 =	sadd.s32 $0xA0, s28;
	[sflag:s16] =	ssyncadd.s32 $0xFFFFFD80  }
0x50: {  	[tilespmem:s21], [sflag:$0x1] =	stream.indirect.gather [hbm4b:s1+s20], $0x80, s29, s20, $0xb8;
	[tilespmem:$0x1ECA8] =	vst v63  }
0x51: {  	_ =	swait.ge [sflag:s24], $0x2800  }
0x52: {  	[sflag:s24] =	ssyncset.done $0x0  }
0x53: {  	s28 =	sadd.s32 $0x2760, s28;
	[sflag:s24] =	ssyncadd.s32 $0xFFFFD800  }
0x54: {  	[spmem:s3] =	stream.indirect.scatter.add.f32 [tilespmem:s22], [sflag:$0x3], $0x80, s28, s20, $0xb8;
	[tilespmem:$0x1ECA8] =	vst v63  }
0x55: {  	_ =	swait.ge [sflag:s16], $0x2800  }
.Ltmp0:
0x56: {  	[sflag:s16] =	ssyncset.done $0x0;
	(pc) =	sbr.rel @p0 .LBB2_2-.Ltmp0, $4  }
0x57: {  	[sflag:s16] =	ssyncadd.s32 $0xFFFFD800  }
0x58: {  	[spmem:s4] =	stream.indirect.scatter.add.f32 [tilespmem:s17], [sflag:$0x3], $0x8, s28, s20, $0xb8;
	[tilespmem:$0x1ECA8] =	vst v63  }
0x59: {  	_ =	swait.ge [sflag:s16], $0x280  }
0x5a: {  	s29 =	smov.u32 s2;
	s28 =	sshra.s32 s31, $0x2;
	[sflag:s16] =	ssyncset.done $0x0  }
0x5b: {  	s2 =	sadd.s32 $0x50, s28;
	[sflag:s16] =	ssyncadd.s32 $0xFFFFFD80  }
0x5c: {  	[tilespmem:s22], [sflag:$0x2] =	stream.indirect.gather [hbm4b:s1+s20], $0x80, s2, s20, $0xb8;
	[tilespmem:$0x1ECA8] =	vst v63  }
0x5d: {  	_ =	swait.ge [sflag:s23], $0x2800  }
0x5e: {  	[sflag:s23] =	ssyncset.done $0x0  }
0x5f: {  	s29 =	sadd.s32 $0x2710, s28;
	[sflag:s23] =	ssyncadd.s32 $0xFFFFD800  }
0x60: {  	[spmem:s3] =	stream.indirect.scatter.add.f32 [tilespmem:s21], [sflag:$0x3], $0x80, s29, s20, $0xb8;
	[tilespmem:$0x1ECA8] =	vst v63  }
0x61: {  	_ =	swait.ge [sflag:s16], $0x2800  }
0x62: {  	[sflag:s16] =	ssyncset.done $0x0  }
0x63: {  	[sflag:s16] =	ssyncadd.s32 $0xFFFFD800  }
0x64: {  	[spmem:s4] =	stream.indirect.scatter.add.f32 [tilespmem:s17], [sflag:$0x3], $0x8, s29, s20, $0xb8;
	[tilespmem:$0x1ECA8] =	vst v63  }
0x65: {  	_ =	swait.ge [sflag:s16], $0x280  }
0x66: {  	[sflag:s16] =	ssyncset.done $0x0  }
0x67: {  	s30 =	sadd.s32 $0xA0, s28;
	[sflag:s16] =	ssyncadd.s32 $0xFFFFFD80  }
0x68: {  	[tilespmem:s21], [sflag:$0x1] =	stream.indirect.gather [hbm4b:s1+s20], $0x80, s30, s20, $0xb8;
	[tilespmem:$0x1ECA8] =	vst v63  }
0x69: {  	_ =	swait.ge [sflag:s24], $0x2800  }
0x6a: {  	[sflag:s24] =	ssyncset.done $0x0  }
0x6b: {  	s31 =	sadd.s32 $0x2760, s28;
	[sflag:s24] =	ssyncadd.s32 $0xFFFFD800  }
0x6c: {  	[spmem:s3] =	stream.indirect.scatter.add.f32 [tilespmem:s22], [sflag:$0x3], $0x80, s31, s20, $0xb8;
	[tilespmem:$0x1ECA8] =	vst v63  }
0x6d: {  	_ =	swait.ge [sflag:s16], $0x2800  }
0x6e: {  	[sflag:s16] =	ssyncset.done $0x0  }
0x6f: {  	[sflag:s16] =	ssyncadd.s32 $0xFFFFD800  }
0x70: {  	[spmem:s4] =	stream.indirect.scatter.add.f32 [tilespmem:s17], [sflag:$0x3], $0x8, s31, s20, $0xb8;
	[tilespmem:$0x1ECA8] =	vst v63  }
0x71: {  	_ =	swait.ge [sflag:s16], $0x280  }
0x72: {  	[sflag:s16] =	ssyncset.done $0x0  }
0x73: {  	[sflag:s16] =	ssyncadd.s32 $0xFFFFFD80  }
0x74: {  	_ =	swait.ge [sflag:s23], $0x2800  }
0x75: {  	[sflag:s23] =	ssyncset.done $0x0  }
0x76: {  	[sflag:s23] =	ssyncadd.s32 $0xFFFFD800  }
0x77: {  	[spmem:s3] =	stream.indirect.scatter.add.f32 [tilespmem:s21], [sflag:$0x3], $0x80, s25, s20, $0xb8;
	[tilespmem:$0x1ECA8] =	vst v63  }
0x78: {  	_ =	swait.ge [sflag:s16], $0x2800  }
0x79: {  	[sflag:s16] =	ssyncset.done $0x0  }
0x7a: {  	[sflag:s16] =	ssyncadd.s32 $0xFFFFD800  }
0x7b: {  	[spmem:s4] =	stream.indirect.scatter.add.f32 [tilespmem:s17], [sflag:$0x3], $0x8, s25, s20, $0xb8;
	[tilespmem:$0x1ECA8] =	vst v63  }
0x7c: {  	_ =	swait.ge [sflag:s16], $0x280  }
0x7d: {  	[sflag:s16] =	ssyncset.done $0x0  }
0x7e: {  	[sflag:s16] =	ssyncadd.s32 $0xFFFFFD80  }
0x7f: {  	[bflag:$0x0] =	sbarrier.arrive $0xFFFF  }
0x80: {  	[hbm:s12], [sflag:s9] =	dma.local [spmem:s15], $0x2800  }
0x81: {  	s26 =	sadd.s32 $0x1, s26;
	_ =	swait.ge [sflag:s16], $0x2800  }
0x82: {  	p0 =	sne.s32 s26, s14;
	[sflag:s16] =	ssyncset.done $0x0  }
.Ltmp1:
0x83: {  	[sflag:s16] =	ssyncadd.s32 $0xFFFFD800;
	(pc) =	sbr.rel @p0 .LBB2_1-.Ltmp1, $4  }
0x84: {  	[hbm:s13], [sflag:s9] =	dma.local [spmem:s18], $0x280  }
0x85: {  	_ =	swait.ge [sflag:s16], $0x280  }
0x86: {  	[sflag:s16] =	ssyncset.done $0x0  }
0x87: {  	[sflag:s16] =	ssyncadd.s32 $0xFFFFFD80  }
0x88: {  	_ =	sfence.sel $0x180000  }
0x89: {  	[bflag:$0x0] =	sbarrier.arrive $0xFFFF  }
0x8a: {  	_ =	strace $0x90000047  }
0x8b: {  	[bflag:$0x2] =	sbarrier.arrive $0xFFFF  }
0x8c: {  	p0 =	sne.s32 s0, $0x0;
	s0 =	rddreg [dreg:$0x4]  }
0x8d: {  	s0 =	sadd.s32 @!p0 $0x100000, s0  }
0x8e: {  	[sflag:s0] =	ssyncadd.tile.s32 @!p0 $0x1;
	_ =	shalt  }
.Lfunc_end2:
_tile_overlayer_lowered:
.L_overlay_start_2:
0x8f: {  	(tag) =	ssettag $0x2  }
0x90: {  	s0 =	rddreg [dreg:$0x0];
	s2 =	stileid.u32  }
0x91: {  	s1 =	rddreg [dreg:$0x1];
	p0 =	sne.s32 s2, $0x0  }
0x92: {  	s3 =	rddreg [dreg:$0x2];
	[bflag:$0x3] =	sbarrier.arrive $0xFFFF;
	s2 =	simm.s32 @!p0 $0x1C03  }
0x93: {  	[timem:s3], [sflag:s2] =	dma.local @!p0 [hbm:s0], s1  }
0x94: {  	s0 =	simm.s32 @!p0 $0x3  }
0x95: {  	_ =	swait.ge @!p0 [sflag:s0], s1  }
0x96: {  	s1 =	ssub.s32 @!p0 $0x0, s1;
	[sflag:s0] =	ssyncset.done @!p0 $0x0  }
0x97: {  	[sflag:s0] =	ssyncadd.s32 @!p0 s1  }
0x98: {  	[bflag:$0x3] =	sbarrier.arrive $0xFFFF  }
0x99: {  	_ =	shalt  }

</sc_bundles>
